<compile_context>
chip_gen: v7x
topology: tpu7x:2x2x1
jax: 0.10.2.dev20260603
libtpu: 0.0.44.dev20260713+nightly
codegen_flags: <defaults>
</compile_context>

<pallas_src>
import functools

import jax
import jax.numpy as jnp
from jax import lax
from jax.experimental import pallas as pl
from jax.experimental.pallas import tpu as pltpu
from jax.experimental.pallas import tpu_sc as plsc

_N = 8192
_C = 32
_KS = (8192, 1024, 512)
_BETA = 0.25
_NC, _NS = 2, 16
_NW = _NC * _NS
_TPW = _N // _NW
_CHUNK = 128
_NCH = _TPW // _CHUNK
_T = 256
_G = _N // _T
_CP = 32


def _argmin_body(cb_ref, zt_ref, idx_ref, lsum_ref, csq_s, cb2_s):
    zt = zt_ref[0]
    k = cb_ref.shape[0]
    t = zt.shape[1]

    @pl.when(pl.program_id(0) == 0)
    def _():
        cbm = cb_ref[...]
        csq_s[...] = jnp.sum(cbm * cbm, axis=1, keepdims=True)
        cb2_s[...] = (-2.0 * cbm).astype(jnp.bfloat16)

    csq = csq_s[...]
    zsq = jnp.sum(zt * zt, axis=0, keepdims=True)
    mm2 = lax.dot_general(cb2_s[...], zt.astype(jnp.bfloat16),
                          (((1,), (0,)), ((), ())),
                          preferred_element_type=jnp.float32)
    d = (zsq + csq) + mm2
    kc = min(k, 2048)
    acc_v = None
    for c in range(0, k, kc):
        blk = d[c:c + kc]
        m = jnp.min(blk, axis=0, keepdims=True)
        ii = c + lax.broadcasted_iota(jnp.int32, (kc, t), 0)
        ic = jnp.min(jnp.where(blk == m, ii, k), axis=0, keepdims=True)
        if acc_v is None:
            acc_v, acc_i, acc_d = m, ic, m
        else:
            upd = m < acc_v
            acc_i = jnp.where(upd, ic, acc_i)
            acc_d = jnp.where(upd, m, acc_d)
            acc_v = jnp.where(upd, m, acc_v)
        acc_v = acc_v.astype(jnp.bfloat16).astype(jnp.float32)
    idx_ref[0] = acc_i
    lsum_ref[0] = jnp.sum(acc_d, axis=1, keepdims=True)


def _argmin_layer(cb, xb, t):
    k = cb.shape[0]
    g = _N // t
    per_b = 1024 // t
    idx, lsum = pl.pallas_call(
        _argmin_body,
        grid=(g,),
        in_specs=[pl.BlockSpec((k, _C), lambda i: (0, 0)),
                  pl.BlockSpec((1, _C, t),
                               lambda i: (i // per_b, 0, i % per_b))],
        out_specs=[pl.BlockSpec((1, 1, t), lambda i: (i, 0, 0)),
                   pl.BlockSpec((1, 1, 1), lambda i: (i, 0, 0))],
        out_shape=[jax.ShapeDtypeStruct((g, 1, t), jnp.int32),
                   jax.ShapeDtypeStruct((g, 1, 1), jnp.float32)],
        scratch_shapes=[pltpu.VMEM((k, 1), jnp.float32),
                        pltpu.VMEM((k, _C), jnp.bfloat16)],
    )(cb, xb)
    return idx.reshape(_N), lsum.reshape(g)


def _sc_body(cb_hbm, idxw, q_hbm, cnt, idx_v, rows_v, zer_v, one_v, sh, sem,
             *, k):
    cid = lax.axis_index("c")
    sid = lax.axis_index("s")
    wid = cid * _NS + sid

    def _zb(i, _):
        zer_v[pl.ds(i * 16, 16)] = jnp.zeros((16,), jnp.float32)
        return 0
    lax.fori_loop(0, k // 16, _zb, 0)

    def _ob(i, _):
        one_v[pl.ds(i * 16, 16)] = jnp.ones((16,), jnp.float32)
        return 0
    lax.fori_loop(0, _CHUNK // 16, _ob, 0)

    @pl.when(sid == 0)
    def _():
        pltpu.sync_copy(zer_v, sh)
    plsc.subcore_barrier()

    pltpu.sync_copy(idxw.at[wid], idx_v)
    for j in range(_NCH):
        pltpu.async_copy(cb_hbm.at[idx_v.at[j]], rows_v.at[j], sem).wait()
        pltpu.sync_copy(one_v, sh.at[idx_v.at[j]], add=True)
    pltpu.sync_copy(rows_v, q_hbm.at[wid])

    plsc.subcore_barrier()

    @pl.when(sid == 0)
    def _():
        pltpu.sync_copy(sh, cnt.at[cid])


@functools.cache
def _sc_gather_counts(k):
    return pl.kernel(
        functools.partial(_sc_body, k=k),
        out_type=[jax.ShapeDtypeStruct((_NW, _NCH, _CHUNK, _CP), jnp.float32),
                  jax.ShapeDtypeStruct((_NC, k), jnp.float32)],
        mesh=plsc.VectorSubcoreMesh(core_axis_name="c", subcore_axis_name="s",
                                    num_cores=_NC, num_subcores=_NS),
        compiler_params=pltpu.CompilerParams(use_tc_tiling_on_sc=False),
        scratch_types=[pltpu.VMEM((_NCH, _CHUNK), jnp.int32),
                       pltpu.VMEM((_NCH, _CHUNK, _CP), jnp.float32),
                       pltpu.VMEM((k,), jnp.float32),
                       pltpu.VMEM((_CHUNK,), jnp.float32),
                       pltpu.VMEM_SHARED((k,), jnp.float32),
                       pltpu.SemaphoreType.DMA],
    )


def _fin_body(c0_ref, c1_ref, c2_ref, ls_ref, out_ref):
    for i, ref in enumerate((c0_ref, c1_ref, c2_ref)):
        cnt = jnp.sum(ref[...], axis=0, keepdims=True)
        p = cnt * (1.0 / _N)
        ent = jnp.sum(p * jnp.log(p + 1e-10))
        out_ref[1, i] = jnp.exp(-ent)
        m = jnp.sum(ls_ref[i, :]) * (1.0 / (_N * _C))
        out_ref[0, i] = m + _BETA * m


def _finalize(c0, c1, c2, ls):
    return pl.pallas_call(
        _fin_body,
        in_specs=[pl.BlockSpec(c0.shape, lambda: (0, 0)),
                  pl.BlockSpec(c1.shape, lambda: (0, 0)),
                  pl.BlockSpec(c2.shape, lambda: (0, 0)),
                  pl.BlockSpec(ls.shape, lambda: (0, 0))],
        out_specs=pl.BlockSpec(memory_space=pltpu.MemorySpace.SMEM),
        out_shape=jax.ShapeDtypeStruct((2, 4), jnp.float32),
    )(c0, c1, c2, ls)


def kernel(x, cb0, cb1, cb2):
    cbs = (cb0, cb1, cb2)
    ts = (1024, 1024, 1024)
    res = {}
    for i in (1, 2, 0):
        xb = x[:, _C * i:_C * (i + 1)].reshape(8, _C, 1024)
        idx, ls = _argmin_layer(cbs[i], xb, ts[i])
        q, c = _sc_gather_counts(_KS[i])(
            cbs[i], idx.reshape(_NW, _NCH, _CHUNK))
        res[i] = (idx, ls, q, c)
    idxs = [res[i][0] for i in range(3)]
    lsums = [jnp.pad(res[i][1], (0, 32 - res[i][1].shape[0]))
             for i in range(3)]
    qs_raw = [res[i][2] for i in range(3)]
    cnts = [res[i][3] for i in range(3)]

    ls4 = jnp.stack(lsums + [lsums[0]])
    fin = _finalize(*cnts, ls4)
    loss_cat = fin[0, :3]
    perplexity_cat = fin[1, :3]

    qs = [q.reshape(8, 32, 32, _C).transpose(0, 3, 1, 2) for q in qs_raw]
    quantized_cat = jnp.concatenate(qs, axis=1)
    indices_cat = jnp.stack([ix.reshape(8, 32, 32) for ix in idxs], axis=1)
    return quantized_cat, indices_cat, loss_cat, perplexity_cat

# --- scband reference (transcript-rebuilt; emitter-appended) ---
"""Pipeline reference for scband-hierarchical-vq-18468359373178 (READ-ONLY COPY).

The authoritative reference and input builder live on the scoring server;
editing this copy changes nothing except your own understanding.
"""

import jax, jax.numpy as jnp
import numpy as np

DIMS = [32, 32, 32]
CB_SIZES = [8192, 1024, 512]
BETA = 0.25


def setup_inputs(seed: int = 0) -> dict:
    key = jax.random.key(seed)
    k1, k2, k3, k4 = jax.random.split(key, 4)
    x = jax.random.normal(k1, (8, 96, 32, 32), dtype=jnp.float32)
    cb0 = jax.random.normal(k2, (8192, 32), dtype=jnp.float32)
    cb1 = jax.random.normal(k3, (1024, 32), dtype=jnp.float32)
    cb2 = jax.random.normal(k4, (512, 32), dtype=jnp.float32)
    return {"x": x, "cb0": cb0, "cb1": cb1, "cb2": cb2}


def _vq_layer(part, cb):
    # part: [B, C, H, W], cb: [K, C]. Standard VQ-VAE quantizer with
    # straight-through estimator, codebook + commitment loss, perplexity.
    B, C, H, W = part.shape
    z = jnp.transpose(part, (0, 2, 3, 1)).reshape(-1, C)  # [B*H*W, C]
    d = (z * z).sum(axis=1, keepdims=True) \
        + (cb * cb).sum(axis=1)[None, :] \
        - 2.0 * (z @ cb.T)  # [N, K]
    idx = jnp.argmin(d, axis=1)  # [N]
    q_flat = jnp.take(cb, idx, axis=0)  # gather from codebook
    commit = jnp.mean((jax.lax.stop_gradient(q_flat) - z) ** 2)
    cb_loss = jnp.mean((q_flat - jax.lax.stop_gradient(z)) ** 2)
    loss = (cb_loss + BETA * commit).reshape(1)
    q_st = z + jax.lax.stop_gradient(q_flat - z)  # straight-through
    quantized = jnp.transpose(q_st.reshape(B, H, W, C), (0, 3, 1, 2))
    K = cb.shape[0]
    counts = jnp.bincount(idx, length=K).astype(jnp.float32)
    avg_probs = counts / idx.shape[0]
    perplexity = jnp.exp(-jnp.sum(avg_probs * jnp.log(avg_probs + 1e-10)))
    indices = idx.reshape(B, H, W)
    return quantized, indices, loss, perplexity


def reference(x, cb0, cb1, cb2):
    cbs = [cb0, cb1, cb2]
    qs, idxs, losses, perps = [], [], [], []
    start = 0
    for i in range(3):
        part = x[:, start:start + DIMS[i], :, :]
        start += DIMS[i]
        q, ind, loss, usage = _vq_layer(part, cbs[i])
        qs.append(q)
        idxs.append(ind[:, None, :, :])
        losses.append(loss)
        perps.append(usage[None])
    quantized_cat = jnp.concatenate(qs, axis=1)
    indices_cat = jnp.concatenate(idxs, axis=1)
    loss_cat = jnp.concatenate(losses, axis=0)
    perplexity_cat = jnp.concatenate(perps, axis=0)
    return quantized_cat, indices_cat, loss_cat, perplexity_cat

if __name__ == "__main__":
    import jax
    _d = setup_inputs()
    print(jax.jit(kernel)(*tuple(_d.values())))

</pallas_src>

<mosaic_0001>
#map = affine_map<(d0, d1) -> (0, 0)>
#map1 = affine_map<(d0, d1) -> (0, 0, 0)>
#map2 = affine_map<(d0, d1) -> (0, 0, 0, 0)>
module attributes {stable_mosaic.version = 14 : i64} {
  func.func @_sc_body(%arg0: i32, %arg1: i32, %arg2: memref<8192x32xf32, #tpu.memory_space<hbm>>, %arg3: memref<32x2x128xi32, #tpu.memory_space<hbm>>, %arg4: memref<32x2x128x32xf32, #tpu.memory_space<hbm>>, %arg5: memref<2x8192xf32, #tpu.memory_space<hbm>>, %arg6: memref<2x128xi32, #tpu.memory_space<vmem>>, %arg7: memref<2x128x32xf32, #tpu.memory_space<vmem>>, %arg8: memref<8192xf32, #tpu.memory_space<vmem>>, %arg9: memref<128xf32, #tpu.memory_space<vmem>>, %arg10: memref<8192xf32, #tpu.memory_space<vmem_shared>>, %arg11: memref<!tpu.dma_semaphore, #tpu.memory_space<semaphore_mem>>) attributes {dimension_semantics = [#tpu.dimension_semantics<core_parallel>, #tpu.dimension_semantics<subcore_parallel>], iteration_bounds = array<i64: 2, 16>, scalar_prefetch = 0 : i64, scratch_operands = 6 : i64, tpu.core_type = #tpu.core_type<sc_vector_subcore>, window_params = [{transform_indices = #map}, {transform_indices = #map1}, {transform_indices = #map2}, {transform_indices = #map}]} {
    %mul3A = arith.constant 16 : i32
    %mul3A_0 = arith.muli %arg0, %mul3A : i32
    %add3A = arith.addi %mul3A_0, %arg1 : i32
    %scan3A = arith.constant 0 : i32
    %scan3A_1 = arith.constant 0 : i32
    %scan3A_2 = arith.constant 512 : i32
    %scan3A_3 = arith.addi %scan3A_1, %scan3A_2 : i32
    %scan3A_4 = arith.constant 1 : i32
    %scan3A_5 = scf.for %scan3A_69 = %scan3A_1 to %scan3A_3 step %scan3A_4 iter_args(%scan3A_70 = %scan3A) -> (i32)  : i32 {
      %broadcast_in_dim3A = arith.constant 0.000000e+00 : f32
      %broadcast_in_dim3A_71 = vector.broadcast %broadcast_in_dim3A : f32 to vector<16xf32>
      %mul3A_72 = arith.constant 16 : i32
      %mul3A_73 = arith.muli %scan3A_69, %mul3A_72 : i32
      %swap3A = arith.index_cast %mul3A_73 : i32 to index
      %swap3A_74 = tpu.vector_load %arg8[%swap3A] {strides = array<i32>} : memref<8192xf32, #tpu.memory_space<vmem>>, vector<16xf32>,
      %swap3A_75 = vector.shape_cast %swap3A_74 : vector<16xf32> to vector<16xf32>
      %swap3A_76 = vector.shape_cast %broadcast_in_dim3A_71 : vector<16xf32> to vector<16xf32>
      tpu.vector_store %arg8[%swap3A], %swap3A_76 {strides = array<i32>} : memref<8192xf32, #tpu.memory_space<vmem>>, vector<16xf32>,
      %scan3A_77 = arith.constant 0 : i32
      scf.yield %scan3A_77 : i32
    }
    %scan3A_6 = arith.constant 512 : i32
    %scan3A_7 = arith.constant 0 : i32
    %scan3A_8 = arith.constant 0 : i32
    %scan3A_9 = arith.constant 8 : i32
    %scan3A_10 = arith.addi %scan3A_8, %scan3A_9 : i32
    %scan3A_11 = arith.constant 1 : i32
    %scan3A_12 = scf.for %scan3A_69 = %scan3A_8 to %scan3A_10 step %scan3A_11 iter_args(%scan3A_70 = %scan3A_7) -> (i32)  : i32 {
      %broadcast_in_dim3A = arith.constant 1.000000e+00 : f32
      %broadcast_in_dim3A_71 = vector.broadcast %broadcast_in_dim3A : f32 to vector<16xf32>
      %mul3A_72 = arith.constant 16 : i32
      %mul3A_73 = arith.muli %scan3A_69, %mul3A_72 : i32
      %swap3A = arith.index_cast %mul3A_73 : i32 to index
      %swap3A_74 = tpu.vector_load %arg9[%swap3A] {strides = array<i32>} : memref<128xf32, #tpu.memory_space<vmem>>, vector<16xf32>,
      %swap3A_75 = vector.shape_cast %swap3A_74 : vector<16xf32> to vector<16xf32>
      %swap3A_76 = vector.shape_cast %broadcast_in_dim3A_71 : vector<16xf32> to vector<16xf32>
      tpu.vector_store %arg9[%swap3A], %swap3A_76 {strides = array<i32>} : memref<128xf32, #tpu.memory_space<vmem>>, vector<16xf32>,
      %scan3A_77 = arith.constant 0 : i32
      scf.yield %scan3A_77 : i32
    }
    %scan3A_13 = arith.constant 8 : i32
    %eq3A = arith.constant 0 : i32
    %eq3A_14 = arith.cmpi eq, %arg1, %eq3A : i32
    %convert_element_type3A = arith.extui %eq3A_14 : i1 to i32
    %cond3A = arith.constant 0 : i32
    %cond3A_15 = arith.cmpi ne, %convert_element_type3A, %cond3A : i32
    scf.if %cond3A_15 {
      "tpu.region"() ({
        %run_scoped3A_69 = tpu.sem_alloc : memref<!tpu.dma_semaphore, #tpu.memory_space<semaphore_mem>>
        tpu.enqueue_dma source(%arg8 : memref<8192xf32, #tpu.memory_space<vmem>>) target(%arg10 : memref<8192xf32, #tpu.memory_space<vmem_shared>>) target_semaphore(%run_scoped3A_69 : memref<!tpu.dma_semaphore, #tpu.memory_space<semaphore_mem>>)
        tpu.wait_dma2 semaphore(%run_scoped3A_69 : memref<!tpu.dma_semaphore, #tpu.memory_space<semaphore_mem>>) src(%arg8 : memref<8192xf32, #tpu.memory_space<vmem>>) dst(%arg10 : memref<8192xf32, #tpu.memory_space<vmem_shared>>)
        tpu.yield
      }) : () -> ()
    } else {
    }
    %barrier3A = arith.constant 0 : index
    tpu.barrier barrier_id(%barrier3A)
    "tpu.region"() ({
      %run_scoped3A_69 = tpu.sem_alloc : memref<!tpu.dma_semaphore, #tpu.memory_space<semaphore_mem>>
      %dma_start3A_70 = arith.constant 0 : i32
      %dma_start3A_71 = arith.constant 0 : i32
      %dma_start3A_72 = tpu.memref_slice %arg3[%add3A, %dma_start3A_70, %dma_start3A_71] : memref<32x2x128xi32, #tpu.memory_space<hbm>> -> memref<1x2x128xi32, #tpu.memory_space<hbm>>
      %dma_start3A_73 = tpu.memref_squeeze %dma_start3A_72 : memref<1x2x128xi32, #tpu.memory_space<hbm>> -> memref<2x128xi32, #tpu.memory_space<hbm>>
      %dma_start3A_74 = arith.constant 0 : i32
      %dma_start3A_75 = arith.constant 0 : i32
      %dma_start3A_76 = tpu.memref_slice %arg3[%add3A, %dma_start3A_74, %dma_start3A_75] : memref<32x2x128xi32, #tpu.memory_space<hbm>> -> memref<1x2x128xi32, #tpu.memory_space<hbm>>
      %dma_start3A_77 = tpu.memref_squeeze %dma_start3A_76 : memref<1x2x128xi32, #tpu.memory_space<hbm>> -> memref<2x128xi32, #tpu.memory_space<hbm>>
      tpu.enqueue_dma source(%dma_start3A_77 : memref<2x128xi32, #tpu.memory_space<hbm>>) target(%arg6 : memref<2x128xi32, #tpu.memory_space<vmem>>) target_semaphore(%run_scoped3A_69 : memref<!tpu.dma_semaphore, #tpu.memory_space<semaphore_mem>>)
      %dma_wait3A_78 = arith.constant 0 : i32
      %dma_wait3A_79 = arith.constant 0 : i32
      %dma_wait3A_80 = tpu.memref_slice %arg3[%add3A, %dma_wait3A_78, %dma_wait3A_79] : memref<32x2x128xi32, #tpu.memory_space<hbm>> -> memref<1x2x128xi32, #tpu.memory_space<hbm>>
      %dma_wait3A_81 = tpu.memref_squeeze %dma_wait3A_80 : memref<1x2x128xi32, #tpu.memory_space<hbm>> -> memref<2x128xi32, #tpu.memory_space<hbm>>
      %dma_wait3A_82 = arith.constant 0 : i32
      %dma_wait3A_83 = arith.constant 0 : i32
      %dma_wait3A_84 = tpu.memref_slice %arg3[%add3A, %dma_wait3A_82, %dma_wait3A_83] : memref<32x2x128xi32, #tpu.memory_space<hbm>> -> memref<1x2x128xi32, #tpu.memory_space<hbm>>
      %dma_wait3A_85 = tpu.memref_squeeze %dma_wait3A_84 : memref<1x2x128xi32, #tpu.memory_space<hbm>> -> memref<2x128xi32, #tpu.memory_space<hbm>>
      tpu.wait_dma2 semaphore(%run_scoped3A_69 : memref<!tpu.dma_semaphore, #tpu.memory_space<semaphore_mem>>) src(%dma_wait3A_85 : memref<2x128xi32, #tpu.memory_space<hbm>>) dst(%arg6 : memref<2x128xi32, #tpu.memory_space<vmem>>)
      tpu.yield
    }) : () -> ()
    %dma_start3A = arith.constant 0 : i32
    %dma_start3A_16 = arith.constant 0 : i32
    %dma_start3A_17 = arith.constant 0 : i32
    %dma_start3A_18 = arith.constant 0 : i32
    %dma_start3A_19 = tpu.memref_slice %arg7[%dma_start3A_16, %dma_start3A_17, %dma_start3A_18] : memref<2x128x32xf32, #tpu.memory_space<vmem>> -> memref<1x128x32xf32, #tpu.memory_space<vmem>>
    %dma_start3A_20 = tpu.memref_squeeze %dma_start3A_19 : memref<1x128x32xf32, #tpu.memory_space<vmem>> -> memref<128x32xf32, #tpu.memory_space<vmem>>
    %dma_start3A_21 = arith.constant 0 : i32
    %dma_start3A_22 = tpu.memref_slice %arg6[%dma_start3A, %dma_start3A_21] : memref<2x128xi32, #tpu.memory_space<vmem>> -> memref<1x128xi32, #tpu.memory_space<vmem>>
    %dma_start3A_23 = tpu.memref_squeeze %dma_start3A_22 : memref<1x128xi32, #tpu.memory_space<vmem>> -> memref<128xi32, #tpu.memory_space<vmem>>
    %dma_start3A_24 = arith.constant 0 : i32
    %dma_start3A_25 = arith.constant 0 : i32
    %dma_start3A_26 = tpu.memref_slice %arg2[%dma_start3A_24, %dma_start3A_25] : memref<8192x32xf32, #tpu.memory_space<hbm>> -> memref<8192x32xf32, #tpu.memory_space<hbm>>
    tpu.enqueue_indirect_dma source(%dma_start3A_26 : memref<8192x32xf32, #tpu.memory_space<hbm>>) target(%dma_start3A_20 : memref<128x32xf32, #tpu.memory_space<vmem>>) offsets(%dma_start3A_23 : memref<128xi32, #tpu.memory_space<vmem>>) semaphore(%arg11 : memref<!tpu.dma_semaphore, #tpu.memory_space<semaphore_mem>>)
    %dma_wait3A = arith.constant 0 : i32
    %dma_wait3A_27 = arith.constant 0 : i32
    %dma_wait3A_28 = arith.constant 0 : i32
    %dma_wait3A_29 = arith.constant 0 : i32
    %dma_wait3A_30 = tpu.memref_slice %arg7[%dma_wait3A_27, %dma_wait3A_28, %dma_wait3A_29] : memref<2x128x32xf32, #tpu.memory_space<vmem>> -> memref<1x128x32xf32, #tpu.memory_space<vmem>>
    %dma_wait3A_31 = tpu.memref_squeeze %dma_wait3A_30 : memref<1x128x32xf32, #tpu.memory_space<vmem>> -> memref<128x32xf32, #tpu.memory_space<vmem>>
    %dma_wait3A_32 = arith.constant 0 : i32
    %dma_wait3A_33 = tpu.memref_slice %arg6[%dma_wait3A, %dma_wait3A_32] : memref<2x128xi32, #tpu.memory_space<vmem>> -> memref<1x128xi32, #tpu.memory_space<vmem>>
    %dma_wait3A_34 = tpu.memref_squeeze %dma_wait3A_33 : memref<1x128xi32, #tpu.memory_space<vmem>> -> memref<128xi32, #tpu.memory_space<vmem>>
    %dma_wait3A_35 = arith.constant 0 : i32
    %dma_wait3A_36 = arith.constant 0 : i32
    %dma_wait3A_37 = tpu.memref_slice %arg2[%dma_wait3A_35, %dma_wait3A_36] : memref<8192x32xf32, #tpu.memory_space<hbm>> -> memref<8192x32xf32, #tpu.memory_space<hbm>>
    tpu.wait_indirect_dma semaphore(%arg11 : memref<!tpu.dma_semaphore, #tpu.memory_space<semaphore_mem>>) src(%dma_wait3A_37 : memref<8192x32xf32, #tpu.memory_space<hbm>>) dst(%dma_wait3A_31 : memref<128x32xf32, #tpu.memory_space<vmem>>)
    %run_scoped3A = arith.constant 0 : i32
    "tpu.region"() ({
      %run_scoped3A_69 = tpu.sem_alloc : memref<!tpu.dma_semaphore, #tpu.memory_space<semaphore_mem>>
      %dma_start3A_70 = arith.constant 0 : i32
      %dma_start3A_71 = tpu.memref_slice %arg6[%run_scoped3A, %dma_start3A_70] : memref<2x128xi32, #tpu.memory_space<vmem>> -> memref<1x128xi32, #tpu.memory_space<vmem>>
      %dma_start3A_72 = tpu.memref_squeeze %dma_start3A_71 : memref<1x128xi32, #tpu.memory_space<vmem>> -> memref<128xi32, #tpu.memory_space<vmem>>
      %dma_start3A_73 = arith.constant 0 : i32
      %dma_start3A_74 = tpu.memref_slice %arg10[%dma_start3A_73] : memref<8192xf32, #tpu.memory_space<vmem_shared>> -> memref<8192xf32, #tpu.memory_space<vmem_shared>>
      tpu.enqueue_indirect_dma source(%arg9 : memref<128xf32, #tpu.memory_space<vmem>>) target(%dma_start3A_74 : memref<8192xf32, #tpu.memory_space<vmem_shared>>) offsets(%dma_start3A_72 : memref<128xi32, #tpu.memory_space<vmem>>) semaphore(%run_scoped3A_69 : memref<!tpu.dma_semaphore, #tpu.memory_space<semaphore_mem>>) {add = true}
      %dma_wait3A_75 = arith.constant 0 : i32
      %dma_wait3A_76 = tpu.memref_slice %arg6[%run_scoped3A, %dma_wait3A_75] : memref<2x128xi32, #tpu.memory_space<vmem>> -> memref<1x128xi32, #tpu.memory_space<vmem>>
      %dma_wait3A_77 = tpu.memref_squeeze %dma_wait3A_76 : memref<1x128xi32, #tpu.memory_space<vmem>> -> memref<128xi32, #tpu.memory_space<vmem>>
      %dma_wait3A_78 = arith.constant 0 : i32
      %dma_wait3A_79 = tpu.memref_slice %arg10[%dma_wait3A_78] : memref<8192xf32, #tpu.memory_space<vmem_shared>> -> memref<8192xf32, #tpu.memory_space<vmem_shared>>
      tpu.wait_indirect_dma semaphore(%run_scoped3A_69 : memref<!tpu.dma_semaphore, #tpu.memory_space<semaphore_mem>>) src(%arg9 : memref<128xf32, #tpu.memory_space<vmem>>) dst(%dma_wait3A_79 : memref<8192xf32, #tpu.memory_space<vmem_shared>>)
      tpu.yield
    }) : () -> ()
    %dma_start3A_38 = arith.constant 1 : i32
    %dma_start3A_39 = arith.constant 1 : i32
    %dma_start3A_40 = arith.constant 0 : i32
    %dma_start3A_41 = arith.constant 0 : i32
    %dma_start3A_42 = tpu.memref_slice %arg7[%dma_start3A_39, %dma_start3A_40, %dma_start3A_41] : memref<2x128x32xf32, #tpu.memory_space<vmem>> -> memref<1x128x32xf32, #tpu.memory_space<vmem>>
    %dma_start3A_43 = tpu.memref_squeeze %dma_start3A_42 : memref<1x128x32xf32, #tpu.memory_space<vmem>> -> memref<128x32xf32, #tpu.memory_space<vmem>>
    %dma_start3A_44 = arith.constant 0 : i32
    %dma_start3A_45 = tpu.memref_slice %arg6[%dma_start3A_38, %dma_start3A_44] : memref<2x128xi32, #tpu.memory_space<vmem>> -> memref<1x128xi32, #tpu.memory_space<vmem>>
    %dma_start3A_46 = tpu.memref_squeeze %dma_start3A_45 : memref<1x128xi32, #tpu.memory_space<vmem>> -> memref<128xi32, #tpu.memory_space<vmem>>
    %dma_start3A_47 = arith.constant 0 : i32
    %dma_start3A_48 = arith.constant 0 : i32
    %dma_start3A_49 = tpu.memref_slice %arg2[%dma_start3A_47, %dma_start3A_48] : memref<8192x32xf32, #tpu.memory_space<hbm>> -> memref<8192x32xf32, #tpu.memory_space<hbm>>
    tpu.enqueue_indirect_dma source(%dma_start3A_49 : memref<8192x32xf32, #tpu.memory_space<hbm>>) target(%dma_start3A_43 : memref<128x32xf32, #tpu.memory_space<vmem>>) offsets(%dma_start3A_46 : memref<128xi32, #tpu.memory_space<vmem>>) semaphore(%arg11 : memref<!tpu.dma_semaphore, #tpu.memory_space<semaphore_mem>>)
    %dma_wait3A_50 = arith.constant 1 : i32
    %dma_wait3A_51 = arith.constant 1 : i32
    %dma_wait3A_52 = arith.constant 0 : i32
    %dma_wait3A_53 = arith.constant 0 : i32
    %dma_wait3A_54 = tpu.memref_slice %arg7[%dma_wait3A_51, %dma_wait3A_52, %dma_wait3A_53] : memref<2x128x32xf32, #tpu.memory_space<vmem>> -> memref<1x128x32xf32, #tpu.memory_space<vmem>>
    %dma_wait3A_55 = tpu.memref_squeeze %dma_wait3A_54 : memref<1x128x32xf32, #tpu.memory_space<vmem>> -> memref<128x32xf32, #tpu.memory_space<vmem>>
    %dma_wait3A_56 = arith.constant 0 : i32
    %dma_wait3A_57 = tpu.memref_slice %arg6[%dma_wait3A_50, %dma_wait3A_56] : memref<2x128xi32, #tpu.memory_space<vmem>> -> memref<1x128xi32, #tpu.memory_space<vmem>>
    %dma_wait3A_58 = tpu.memref_squeeze %dma_wait3A_57 : memref<1x128xi32, #tpu.memory_space<vmem>> -> memref<128xi32, #tpu.memory_space<vmem>>
    %dma_wait3A_59 = arith.constant 0 : i32
    %dma_wait3A_60 = arith.constant 0 : i32
    %dma_wait3A_61 = tpu.memref_slice %arg2[%dma_wait3A_59, %dma_wait3A_60] : memref<8192x32xf32, #tpu.memory_space<hbm>> -> memref<8192x32xf32, #tpu.memory_space<hbm>>
    tpu.wait_indirect_dma semaphore(%arg11 : memref<!tpu.dma_semaphore, #tpu.memory_space<semaphore_mem>>) src(%dma_wait3A_61 : memref<8192x32xf32, #tpu.memory_space<hbm>>) dst(%dma_wait3A_55 : memref<128x32xf32, #tpu.memory_space<vmem>>)
    %run_scoped3A_62 = arith.constant 1 : i32
    "tpu.region"() ({
      %run_scoped3A_69 = tpu.sem_alloc : memref<!tpu.dma_semaphore, #tpu.memory_space<semaphore_mem>>
      %dma_start3A_70 = arith.constant 0 : i32
      %dma_start3A_71 = tpu.memref_slice %arg6[%run_scoped3A_62, %dma_start3A_70] : memref<2x128xi32, #tpu.memory_space<vmem>> -> memref<1x128xi32, #tpu.memory_space<vmem>>
      %dma_start3A_72 = tpu.memref_squeeze %dma_start3A_71 : memref<1x128xi32, #tpu.memory_space<vmem>> -> memref<128xi32, #tpu.memory_space<vmem>>
      %dma_start3A_73 = arith.constant 0 : i32
      %dma_start3A_74 = tpu.memref_slice %arg10[%dma_start3A_73] : memref<8192xf32, #tpu.memory_space<vmem_shared>> -> memref<8192xf32, #tpu.memory_space<vmem_shared>>
      tpu.enqueue_indirect_dma source(%arg9 : memref<128xf32, #tpu.memory_space<vmem>>) target(%dma_start3A_74 : memref<8192xf32, #tpu.memory_space<vmem_shared>>) offsets(%dma_start3A_72 : memref<128xi32, #tpu.memory_space<vmem>>) semaphore(%run_scoped3A_69 : memref<!tpu.dma_semaphore, #tpu.memory_space<semaphore_mem>>) {add = true}
      %dma_wait3A_75 = arith.constant 0 : i32
      %dma_wait3A_76 = tpu.memref_slice %arg6[%run_scoped3A_62, %dma_wait3A_75] : memref<2x128xi32, #tpu.memory_space<vmem>> -> memref<1x128xi32, #tpu.memory_space<vmem>>
      %dma_wait3A_77 = tpu.memref_squeeze %dma_wait3A_76 : memref<1x128xi32, #tpu.memory_space<vmem>> -> memref<128xi32, #tpu.memory_space<vmem>>
      %dma_wait3A_78 = arith.constant 0 : i32
      %dma_wait3A_79 = tpu.memref_slice %arg10[%dma_wait3A_78] : memref<8192xf32, #tpu.memory_space<vmem_shared>> -> memref<8192xf32, #tpu.memory_space<vmem_shared>>
      tpu.wait_indirect_dma semaphore(%run_scoped3A_69 : memref<!tpu.dma_semaphore, #tpu.memory_space<semaphore_mem>>) src(%arg9 : memref<128xf32, #tpu.memory_space<vmem>>) dst(%dma_wait3A_79 : memref<8192xf32, #tpu.memory_space<vmem_shared>>)
      tpu.yield
    }) : () -> ()
    "tpu.region"() ({
      %run_scoped3A_69 = tpu.sem_alloc : memref<!tpu.dma_semaphore, #tpu.memory_space<semaphore_mem>>
      %dma_start3A_70 = arith.constant 0 : i32
      %dma_start3A_71 = arith.constant 0 : i32
      %dma_start3A_72 = arith.constant 0 : i32
      %dma_start3A_73 = tpu.memref_slice %arg4[%add3A, %dma_start3A_70, %dma_start3A_71, %dma_start3A_72] : memref<32x2x128x32xf32, #tpu.memory_space<hbm>> -> memref<1x2x128x32xf32, #tpu.memory_space<hbm>>
      %dma_start3A_74 = tpu.memref_squeeze %dma_start3A_73 : memref<1x2x128x32xf32, #tpu.memory_space<hbm>> -> memref<2x128x32xf32, #tpu.memory_space<hbm>>
      %dma_start3A_75 = arith.constant 0 : i32
      %dma_start3A_76 = arith.constant 0 : i32
      %dma_start3A_77 = arith.constant 0 : i32
      %dma_start3A_78 = tpu.memref_slice %arg4[%add3A, %dma_start3A_75, %dma_start3A_76, %dma_start3A_77] : memref<32x2x128x32xf32, #tpu.memory_space<hbm>> -> memref<1x2x128x32xf32, #tpu.memory_space<hbm>>
      %dma_start3A_79 = tpu.memref_squeeze %dma_start3A_78 : memref<1x2x128x32xf32, #tpu.memory_space<hbm>> -> memref<2x128x32xf32, #tpu.memory_space<hbm>>
      tpu.enqueue_dma source(%arg7 : memref<2x128x32xf32, #tpu.memory_space<vmem>>) target(%dma_start3A_79 : memref<2x128x32xf32, #tpu.memory_space<hbm>>) target_semaphore(%run_scoped3A_69 : memref<!tpu.dma_semaphore, #tpu.memory_space<semaphore_mem>>)
      %dma_wait3A_80 = arith.constant 0 : i32
      %dma_wait3A_81 = arith.constant 0 : i32
      %dma_wait3A_82 = arith.constant 0 : i32
      %dma_wait3A_83 = tpu.memref_slice %arg4[%add3A, %dma_wait3A_80, %dma_wait3A_81, %dma_wait3A_82] : memref<32x2x128x32xf32, #tpu.memory_space<hbm>> -> memref<1x2x128x32xf32, #tpu.memory_space<hbm>>
      %dma_wait3A_84 = tpu.memref_squeeze %dma_wait3A_83 : memref<1x2x128x32xf32, #tpu.memory_space<hbm>> -> memref<2x128x32xf32, #tpu.memory_space<hbm>>
      %dma_wait3A_85 = arith.constant 0 : i32
      %dma_wait3A_86 = arith.constant 0 : i32
      %dma_wait3A_87 = arith.constant 0 : i32
      %dma_wait3A_88 = tpu.memref_slice %arg4[%add3A, %dma_wait3A_85, %dma_wait3A_86, %dma_wait3A_87] : memref<32x2x128x32xf32, #tpu.memory_space<hbm>> -> memref<1x2x128x32xf32, #tpu.memory_space<hbm>>
      %dma_wait3A_89 = tpu.memref_squeeze %dma_wait3A_88 : memref<1x2x128x32xf32, #tpu.memory_space<hbm>> -> memref<2x128x32xf32, #tpu.memory_space<hbm>>
      tpu.wait_dma2 semaphore(%run_scoped3A_69 : memref<!tpu.dma_semaphore, #tpu.memory_space<semaphore_mem>>) src(%arg7 : memref<2x128x32xf32, #tpu.memory_space<vmem>>) dst(%dma_wait3A_89 : memref<2x128x32xf32, #tpu.memory_space<hbm>>)
      tpu.yield
    }) : () -> ()
    %barrier3A_63 = arith.constant 0 : index
    tpu.barrier barrier_id(%barrier3A_63)
    %eq3A_64 = arith.constant 0 : i32
    %eq3A_65 = arith.cmpi eq, %arg1, %eq3A_64 : i32
    %convert_element_type3A_66 = arith.extui %eq3A_65 : i1 to i32
    %cond3A_67 = arith.constant 0 : i32
    %cond3A_68 = arith.cmpi ne, %convert_element_type3A_66, %cond3A_67 : i32
    scf.if %cond3A_68 {
      "tpu.region"() ({
        %run_scoped3A_69 = tpu.sem_alloc : memref<!tpu.dma_semaphore, #tpu.memory_space<semaphore_mem>>
        %dma_start3A_70 = arith.constant 0 : i32
        %dma_start3A_71 = tpu.memref_slice %arg5[%arg0, %dma_start3A_70] : memref<2x8192xf32, #tpu.memory_space<hbm>> -> memref<1x8192xf32, #tpu.memory_space<hbm>>
        %dma_start3A_72 = tpu.memref_squeeze %dma_start3A_71 : memref<1x8192xf32, #tpu.memory_space<hbm>> -> memref<8192xf32, #tpu.memory_space<hbm>>
        tpu.enqueue_dma source(%arg10 : memref<8192xf32, #tpu.memory_space<vmem_shared>>) target(%dma_start3A_72 : memref<8192xf32, #tpu.memory_space<hbm>>) target_semaphore(%run_scoped3A_69 : memref<!tpu.dma_semaphore, #tpu.memory_space<semaphore_mem>>)
        %dma_wait3A_73 = arith.constant 0 : i32
        %dma_wait3A_74 = tpu.memref_slice %arg5[%arg0, %dma_wait3A_73] : memref<2x8192xf32, #tpu.memory_space<hbm>> -> memref<1x8192xf32, #tpu.memory_space<hbm>>
        %dma_wait3A_75 = tpu.memref_squeeze %dma_wait3A_74 : memref<1x8192xf32, #tpu.memory_space<hbm>> -> memref<8192xf32, #tpu.memory_space<hbm>>
        tpu.wait_dma2 semaphore(%run_scoped3A_69 : memref<!tpu.dma_semaphore, #tpu.memory_space<semaphore_mem>>) src(%arg10 : memref<8192xf32, #tpu.memory_space<vmem_shared>>) dst(%dma_wait3A_75 : memref<8192xf32, #tpu.memory_space<hbm>>)
        tpu.yield
      }) : () -> ()
    } else {
    }
    return
  }
}

#map = affine_map<(d0, d1) -> (0, 0)>
#map1 = affine_map<(d0, d1) -> (0, 0, 0)>
#map2 = affine_map<(d0, d1) -> (0, 0, 0, 0)>
module attributes {stable_mosaic.version = 14 : i64} {
  func.func @_sc_body(%arg0: i32, %arg1: i32, %arg2: memref<512x32xf32, #tpu.memory_space<hbm>>, %arg3: memref<32x2x128xi32, #tpu.memory_space<hbm>>, %arg4: memref<32x2x128x32xf32, #tpu.memory_space<hbm>>, %arg5: memref<2x512xf32, #tpu.memory_space<hbm>>, %arg6: memref<2x128xi32, #tpu.memory_space<vmem>>, %arg7: memref<2x128x32xf32, #tpu.memory_space<vmem>>, %arg8: memref<512xf32, #tpu.memory_space<vmem>>, %arg9: memref<128xf32, #tpu.memory_space<vmem>>, %arg10: memref<512xf32, #tpu.memory_space<vmem_shared>>, %arg11: memref<!tpu.dma_semaphore, #tpu.memory_space<semaphore_mem>>) attributes {dimension_semantics = [#tpu.dimension_semantics<core_parallel>, #tpu.dimension_semantics<subcore_parallel>], iteration_bounds = array<i64: 2, 16>, scalar_prefetch = 0 : i64, scratch_operands = 6 : i64, tpu.core_type = #tpu.core_type<sc_vector_subcore>, window_params = [{transform_indices = #map}, {transform_indices = #map1}, {transform_indices = #map2}, {transform_indices = #map}]} {
    %mul3A = arith.constant 16 : i32
    %mul3A_0 = arith.muli %arg0, %mul3A : i32
    %add3A = arith.addi %mul3A_0, %arg1 : i32
    %scan3A = arith.constant 0 : i32
    %scan3A_1 = arith.constant 0 : i32
    %scan3A_2 = arith.constant 32 : i32
    %scan3A_3 = arith.addi %scan3A_1, %scan3A_2 : i32
    %scan3A_4 = arith.constant 1 : i32
    %scan3A_5 = scf.for %scan3A_69 = %scan3A_1 to %scan3A_3 step %scan3A_4 iter_args(%scan3A_70 = %scan3A) -> (i32)  : i32 {
      %broadcast_in_dim3A = arith.constant 0.000000e+00 : f32
      %broadcast_in_dim3A_71 = vector.broadcast %broadcast_in_dim3A : f32 to vector<16xf32>
      %mul3A_72 = arith.constant 16 : i32
      %mul3A_73 = arith.muli %scan3A_69, %mul3A_72 : i32
      %swap3A = arith.index_cast %mul3A_73 : i32 to index
      %swap3A_74 = tpu.vector_load %arg8[%swap3A] {strides = array<i32>} : memref<512xf32, #tpu.memory_space<vmem>>, vector<16xf32>,
      %swap3A_75 = vector.shape_cast %swap3A_74 : vector<16xf32> to vector<16xf32>
      %swap3A_76 = vector.shape_cast %broadcast_in_dim3A_71 : vector<16xf32> to vector<16xf32>
      tpu.vector_store %arg8[%swap3A], %swap3A_76 {strides = array<i32>} : memref<512xf32, #tpu.memory_space<vmem>>, vector<16xf32>,
      %scan3A_77 = arith.constant 0 : i32
      scf.yield %scan3A_77 : i32
    }
    %scan3A_6 = arith.constant 32 : i32
    %scan3A_7 = arith.constant 0 : i32
    %scan3A_8 = arith.constant 0 : i32
    %scan3A_9 = arith.constant 8 : i32
    %scan3A_10 = arith.addi %scan3A_8, %scan3A_9 : i32
    %scan3A_11 = arith.constant 1 : i32
    %scan3A_12 = scf.for %scan3A_69 = %scan3A_8 to %scan3A_10 step %scan3A_11 iter_args(%scan3A_70 = %scan3A_7) -> (i32)  : i32 {
      %broadcast_in_dim3A = arith.constant 1.000000e+00 : f32
      %broadcast_in_dim3A_71 = vector.broadcast %broadcast_in_dim3A : f32 to vector<16xf32>
      %mul3A_72 = arith.constant 16 : i32
      %mul3A_73 = arith.muli %scan3A_69, %mul3A_72 : i32
      %swap3A = arith.index_cast %mul3A_73 : i32 to index
      %swap3A_74 = tpu.vector_load %arg9[%swap3A] {strides = array<i32>} : memref<128xf32, #tpu.memory_space<vmem>>, vector<16xf32>,
      %swap3A_75 = vector.shape_cast %swap3A_74 : vector<16xf32> to vector<16xf32>
      %swap3A_76 = vector.shape_cast %broadcast_in_dim3A_71 : vector<16xf32> to vector<16xf32>
      tpu.vector_store %arg9[%swap3A], %swap3A_76 {strides = array<i32>} : memref<128xf32, #tpu.memory_space<vmem>>, vector<16xf32>,
      %scan3A_77 = arith.constant 0 : i32
      scf.yield %scan3A_77 : i32
    }
    %scan3A_13 = arith.constant 8 : i32
    %eq3A = arith.constant 0 : i32
    %eq3A_14 = arith.cmpi eq, %arg1, %eq3A : i32
    %convert_element_type3A = arith.extui %eq3A_14 : i1 to i32
    %cond3A = arith.constant 0 : i32
    %cond3A_15 = arith.cmpi ne, %convert_element_type3A, %cond3A : i32
    scf.if %cond3A_15 {
      "tpu.region"() ({
        %run_scoped3A_69 = tpu.sem_alloc : memref<!tpu.dma_semaphore, #tpu.memory_space<semaphore_mem>>
        tpu.enqueue_dma source(%arg8 : memref<512xf32, #tpu.memory_space<vmem>>) target(%arg10 : memref<512xf32, #tpu.memory_space<vmem_shared>>) target_semaphore(%run_scoped3A_69 : memref<!tpu.dma_semaphore, #tpu.memory_space<semaphore_mem>>)
        tpu.wait_dma2 semaphore(%run_scoped3A_69 : memref<!tpu.dma_semaphore, #tpu.memory_space<semaphore_mem>>) src(%arg8 : memref<512xf32, #tpu.memory_space<vmem>>) dst(%arg10 : memref<512xf32, #tpu.memory_space<vmem_shared>>)
        tpu.yield
      }) : () -> ()
    } else {
    }
    %barrier3A = arith.constant 0 : index
    tpu.barrier barrier_id(%barrier3A)
    "tpu.region"() ({
      %run_scoped3A_69 = tpu.sem_alloc : memref<!tpu.dma_semaphore, #tpu.memory_space<semaphore_mem>>
      %dma_start3A_70 = arith.constant 0 : i32
      %dma_start3A_71 = arith.constant 0 : i32
      %dma_start3A_72 = tpu.memref_slice %arg3[%add3A, %dma_start3A_70, %dma_start3A_71] : memref<32x2x128xi32, #tpu.memory_space<hbm>> -> memref<1x2x128xi32, #tpu.memory_space<hbm>>
      %dma_start3A_73 = tpu.memref_squeeze %dma_start3A_72 : memref<1x2x128xi32, #tpu.memory_space<hbm>> -> memref<2x128xi32, #tpu.memory_space<hbm>>
      %dma_start3A_74 = arith.constant 0 : i32
      %dma_start3A_75 = arith.constant 0 : i32
      %dma_start3A_76 = tpu.memref_slice %arg3[%add3A, %dma_start3A_74, %dma_start3A_75] : memref<32x2x128xi32, #tpu.memory_space<hbm>> -> memref<1x2x128xi32, #tpu.memory_space<hbm>>
      %dma_start3A_77 = tpu.memref_squeeze %dma_start3A_76 : memref<1x2x128xi32, #tpu.memory_space<hbm>> -> memref<2x128xi32, #tpu.memory_space<hbm>>
      tpu.enqueue_dma source(%dma_start3A_77 : memref<2x128xi32, #tpu.memory_space<hbm>>) target(%arg6 : memref<2x128xi32, #tpu.memory_space<vmem>>) target_semaphore(%run_scoped3A_69 : memref<!tpu.dma_semaphore, #tpu.memory_space<semaphore_mem>>)
      %dma_wait3A_78 = arith.constant 0 : i32
      %dma_wait3A_79 = arith.constant 0 : i32
      %dma_wait3A_80 = tpu.memref_slice %arg3[%add3A, %dma_wait3A_78, %dma_wait3A_79] : memref<32x2x128xi32, #tpu.memory_space<hbm>> -> memref<1x2x128xi32, #tpu.memory_space<hbm>>
      %dma_wait3A_81 = tpu.memref_squeeze %dma_wait3A_80 : memref<1x2x128xi32, #tpu.memory_space<hbm>> -> memref<2x128xi32, #tpu.memory_space<hbm>>
      %dma_wait3A_82 = arith.constant 0 : i32
      %dma_wait3A_83 = arith.constant 0 : i32
      %dma_wait3A_84 = tpu.memref_slice %arg3[%add3A, %dma_wait3A_82, %dma_wait3A_83] : memref<32x2x128xi32, #tpu.memory_space<hbm>> -> memref<1x2x128xi32, #tpu.memory_space<hbm>>
      %dma_wait3A_85 = tpu.memref_squeeze %dma_wait3A_84 : memref<1x2x128xi32, #tpu.memory_space<hbm>> -> memref<2x128xi32, #tpu.memory_space<hbm>>
      tpu.wait_dma2 semaphore(%run_scoped3A_69 : memref<!tpu.dma_semaphore, #tpu.memory_space<semaphore_mem>>) src(%dma_wait3A_85 : memref<2x128xi32, #tpu.memory_space<hbm>>) dst(%arg6 : memref<2x128xi32, #tpu.memory_space<vmem>>)
      tpu.yield
    }) : () -> ()
    %dma_start3A = arith.constant 0 : i32
    %dma_start3A_16 = arith.constant 0 : i32
    %dma_start3A_17 = arith.constant 0 : i32
    %dma_start3A_18 = arith.constant 0 : i32
    %dma_start3A_19 = tpu.memref_slice %arg7[%dma_start3A_16, %dma_start3A_17, %dma_start3A_18] : memref<2x128x32xf32, #tpu.memory_space<vmem>> -> memref<1x128x32xf32, #tpu.memory_space<vmem>>
    %dma_start3A_20 = tpu.memref_squeeze %dma_start3A_19 : memref<1x128x32xf32, #tpu.memory_space<vmem>> -> memref<128x32xf32, #tpu.memory_space<vmem>>
    %dma_start3A_21 = arith.constant 0 : i32
    %dma_start3A_22 = tpu.memref_slice %arg6[%dma_start3A, %dma_start3A_21] : memref<2x128xi32, #tpu.memory_space<vmem>> -> memref<1x128xi32, #tpu.memory_space<vmem>>
    %dma_start3A_23 = tpu.memref_squeeze %dma_start3A_22 : memref<1x128xi32, #tpu.memory_space<vmem>> -> memref<128xi32, #tpu.memory_space<vmem>>
    %dma_start3A_24 = arith.constant 0 : i32
    %dma_start3A_25 = arith.constant 0 : i32
    %dma_start3A_26 = tpu.memref_slice %arg2[%dma_start3A_24, %dma_start3A_25] : memref<512x32xf32, #tpu.memory_space<hbm>> -> memref<512x32xf32, #tpu.memory_space<hbm>>
    tpu.enqueue_indirect_dma source(%dma_start3A_26 : memref<512x32xf32, #tpu.memory_space<hbm>>) target(%dma_start3A_20 : memref<128x32xf32, #tpu.memory_space<vmem>>) offsets(%dma_start3A_23 : memref<128xi32, #tpu.memory_space<vmem>>) semaphore(%arg11 : memref<!tpu.dma_semaphore, #tpu.memory_space<semaphore_mem>>)
    %dma_wait3A = arith.constant 0 : i32
    %dma_wait3A_27 = arith.constant 0 : i32
    %dma_wait3A_28 = arith.constant 0 : i32
    %dma_wait3A_29 = arith.constant 0 : i32
    %dma_wait3A_30 = tpu.memref_slice %arg7[%dma_wait3A_27, %dma_wait3A_28, %dma_wait3A_29] : memref<2x128x32xf32, #tpu.memory_space<vmem>> -> memref<1x128x32xf32, #tpu.memory_space<vmem>>
    %dma_wait3A_31 = tpu.memref_squeeze %dma_wait3A_30 : memref<1x128x32xf32, #tpu.memory_space<vmem>> -> memref<128x32xf32, #tpu.memory_space<vmem>>
    %dma_wait3A_32 = arith.constant 0 : i32
    %dma_wait3A_33 = tpu.memref_slice %arg6[%dma_wait3A, %dma_wait3A_32] : memref<2x128xi32, #tpu.memory_space<vmem>> -> memref<1x128xi32, #tpu.memory_space<vmem>>
    %dma_wait3A_34 = tpu.memref_squeeze %dma_wait3A_33 : memref<1x128xi32, #tpu.memory_space<vmem>> -> memref<128xi32, #tpu.memory_space<vmem>>
    %dma_wait3A_35 = arith.constant 0 : i32
    %dma_wait3A_36 = arith.constant 0 : i32
    %dma_wait3A_37 = tpu.memref_slice %arg2[%dma_wait3A_35, %dma_wait3A_36] : memref<512x32xf32, #tpu.memory_space<hbm>> -> memref<512x32xf32, #tpu.memory_space<hbm>>
    tpu.wait_indirect_dma semaphore(%arg11 : memref<!tpu.dma_semaphore, #tpu.memory_space<semaphore_mem>>) src(%dma_wait3A_37 : memref<512x32xf32, #tpu.memory_space<hbm>>) dst(%dma_wait3A_31 : memref<128x32xf32, #tpu.memory_space<vmem>>)
    %run_scoped3A = arith.constant 0 : i32
    "tpu.region"() ({
      %run_scoped3A_69 = tpu.sem_alloc : memref<!tpu.dma_semaphore, #tpu.memory_space<semaphore_mem>>
      %dma_start3A_70 = arith.constant 0 : i32
      %dma_start3A_71 = tpu.memref_slice %arg6[%run_scoped3A, %dma_start3A_70] : memref<2x128xi32, #tpu.memory_space<vmem>> -> memref<1x128xi32, #tpu.memory_space<vmem>>
      %dma_start3A_72 = tpu.memref_squeeze %dma_start3A_71 : memref<1x128xi32, #tpu.memory_space<vmem>> -> memref<128xi32, #tpu.memory_space<vmem>>
      %dma_start3A_73 = arith.constant 0 : i32
      %dma_start3A_74 = tpu.memref_slice %arg10[%dma_start3A_73] : memref<512xf32, #tpu.memory_space<vmem_shared>> -> memref<512xf32, #tpu.memory_space<vmem_shared>>
      tpu.enqueue_indirect_dma source(%arg9 : memref<128xf32, #tpu.memory_space<vmem>>) target(%dma_start3A_74 : memref<512xf32, #tpu.memory_space<vmem_shared>>) offsets(%dma_start3A_72 : memref<128xi32, #tpu.memory_space<vmem>>) semaphore(%run_scoped3A_69 : memref<!tpu.dma_semaphore, #tpu.memory_space<semaphore_mem>>) {add = true}
      %dma_wait3A_75 = arith.constant 0 : i32
      %dma_wait3A_76 = tpu.memref_slice %arg6[%run_scoped3A, %dma_wait3A_75] : memref<2x128xi32, #tpu.memory_space<vmem>> -> memref<1x128xi32, #tpu.memory_space<vmem>>
      %dma_wait3A_77 = tpu.memref_squeeze %dma_wait3A_76 : memref<1x128xi32, #tpu.memory_space<vmem>> -> memref<128xi32, #tpu.memory_space<vmem>>
      %dma_wait3A_78 = arith.constant 0 : i32
      %dma_wait3A_79 = tpu.memref_slice %arg10[%dma_wait3A_78] : memref<512xf32, #tpu.memory_space<vmem_shared>> -> memref<512xf32, #tpu.memory_space<vmem_shared>>
      tpu.wait_indirect_dma semaphore(%run_scoped3A_69 : memref<!tpu.dma_semaphore, #tpu.memory_space<semaphore_mem>>) src(%arg9 : memref<128xf32, #tpu.memory_space<vmem>>) dst(%dma_wait3A_79 : memref<512xf32, #tpu.memory_space<vmem_shared>>)
      tpu.yield
    }) : () -> ()
    %dma_start3A_38 = arith.constant 1 : i32
    %dma_start3A_39 = arith.constant 1 : i32
    %dma_start3A_40 = arith.constant 0 : i32
    %dma_start3A_41 = arith.constant 0 : i32
    %dma_start3A_42 = tpu.memref_slice %arg7[%dma_start3A_39, %dma_start3A_40, %dma_start3A_41] : memref<2x128x32xf32, #tpu.memory_space<vmem>> -> memref<1x128x32xf32, #tpu.memory_space<vmem>>
    %dma_start3A_43 = tpu.memref_squeeze %dma_start3A_42 : memref<1x128x32xf32, #tpu.memory_space<vmem>> -> memref<128x32xf32, #tpu.memory_space<vmem>>
    %dma_start3A_44 = arith.constant 0 : i32
    %dma_start3A_45 = tpu.memref_slice %arg6[%dma_start3A_38, %dma_start3A_44] : memref<2x128xi32, #tpu.memory_space<vmem>> -> memref<1x128xi32, #tpu.memory_space<vmem>>
    %dma_start3A_46 = tpu.memref_squeeze %dma_start3A_45 : memref<1x128xi32, #tpu.memory_space<vmem>> -> memref<128xi32, #tpu.memory_space<vmem>>
    %dma_start3A_47 = arith.constant 0 : i32
    %dma_start3A_48 = arith.constant 0 : i32
    %dma_start3A_49 = tpu.memref_slice %arg2[%dma_start3A_47, %dma_start3A_48] : memref<512x32xf32, #tpu.memory_space<hbm>> -> memref<512x32xf32, #tpu.memory_space<hbm>>
    tpu.enqueue_indirect_dma source(%dma_start3A_49 : memref<512x32xf32, #tpu.memory_space<hbm>>) target(%dma_start3A_43 : memref<128x32xf32, #tpu.memory_space<vmem>>) offsets(%dma_start3A_46 : memref<128xi32, #tpu.memory_space<vmem>>) semaphore(%arg11 : memref<!tpu.dma_semaphore, #tpu.memory_space<semaphore_mem>>)
    %dma_wait3A_50 = arith.constant 1 : i32
    %dma_wait3A_51 = arith.constant 1 : i32
    %dma_wait3A_52 = arith.constant 0 : i32
    %dma_wait3A_53 = arith.constant 0 : i32
    %dma_wait3A_54 = tpu.memref_slice %arg7[%dma_wait3A_51, %dma_wait3A_52, %dma_wait3A_53] : memref<2x128x32xf32, #tpu.memory_space<vmem>> -> memref<1x128x32xf32, #tpu.memory_space<vmem>>
    %dma_wait3A_55 = tpu.memref_squeeze %dma_wait3A_54 : memref<1x128x32xf32, #tpu.memory_space<vmem>> -> memref<128x32xf32, #tpu.memory_space<vmem>>
    %dma_wait3A_56 = arith.constant 0 : i32
    %dma_wait3A_57 = tpu.memref_slice %arg6[%dma_wait3A_50, %dma_wait3A_56] : memref<2x128xi32, #tpu.memory_space<vmem>> -> memref<1x128xi32, #tpu.memory_space<vmem>>
    %dma_wait3A_58 = tpu.memref_squeeze %dma_wait3A_57 : memref<1x128xi32, #tpu.memory_space<vmem>> -> memref<128xi32, #tpu.memory_space<vmem>>
    %dma_wait3A_59 = arith.constant 0 : i32
    %dma_wait3A_60 = arith.constant 0 : i32
    %dma_wait3A_61 = tpu.memref_slice %arg2[%dma_wait3A_59, %dma_wait3A_60] : memref<512x32xf32, #tpu.memory_space<hbm>> -> memref<512x32xf32, #tpu.memory_space<hbm>>
    tpu.wait_indirect_dma semaphore(%arg11 : memref<!tpu.dma_semaphore, #tpu.memory_space<semaphore_mem>>) src(%dma_wait3A_61 : memref<512x32xf32, #tpu.memory_space<hbm>>) dst(%dma_wait3A_55 : memref<128x32xf32, #tpu.memory_space<vmem>>)
    %run_scoped3A_62 = arith.constant 1 : i32
    "tpu.region"() ({
      %run_scoped3A_69 = tpu.sem_alloc : memref<!tpu.dma_semaphore, #tpu.memory_space<semaphore_mem>>
      %dma_start3A_70 = arith.constant 0 : i32
      %dma_start3A_71 = tpu.memref_slice %arg6[%run_scoped3A_62, %dma_start3A_70] : memref<2x128xi32, #tpu.memory_space<vmem>> -> memref<1x128xi32, #tpu.memory_space<vmem>>
      %dma_start3A_72 = tpu.memref_squeeze %dma_start3A_71 : memref<1x128xi32, #tpu.memory_space<vmem>> -> memref<128xi32, #tpu.memory_space<vmem>>
      %dma_start3A_73 = arith.constant 0 : i32
      %dma_start3A_74 = tpu.memref_slice %arg10[%dma_start3A_73] : memref<512xf32, #tpu.memory_space<vmem_shared>> -> memref<512xf32, #tpu.memory_space<vmem_shared>>
      tpu.enqueue_indirect_dma source(%arg9 : memref<128xf32, #tpu.memory_space<vmem>>) target(%dma_start3A_74 : memref<512xf32, #tpu.memory_space<vmem_shared>>) offsets(%dma_start3A_72 : memref<128xi32, #tpu.memory_space<vmem>>) semaphore(%run_scoped3A_69 : memref<!tpu.dma_semaphore, #tpu.memory_space<semaphore_mem>>) {add = true}
      %dma_wait3A_75 = arith.constant 0 : i32
      %dma_wait3A_76 = tpu.memref_slice %arg6[%run_scoped3A_62, %dma_wait3A_75] : memref<2x128xi32, #tpu.memory_space<vmem>> -> memref<1x128xi32, #tpu.memory_space<vmem>>
      %dma_wait3A_77 = tpu.memref_squeeze %dma_wait3A_76 : memref<1x128xi32, #tpu.memory_space<vmem>> -> memref<128xi32, #tpu.memory_space<vmem>>
      %dma_wait3A_78 = arith.constant 0 : i32
      %dma_wait3A_79 = tpu.memref_slice %arg10[%dma_wait3A_78] : memref<512xf32, #tpu.memory_space<vmem_shared>> -> memref<512xf32, #tpu.memory_space<vmem_shared>>
      tpu.wait_indirect_dma semaphore(%run_scoped3A_69 : memref<!tpu.dma_semaphore, #tpu.memory_space<semaphore_mem>>) src(%arg9 : memref<128xf32, #tpu.memory_space<vmem>>) dst(%dma_wait3A_79 : memref<512xf32, #tpu.memory_space<vmem_shared>>)
      tpu.yield
    }) : () -> ()
    "tpu.region"() ({
      %run_scoped3A_69 = tpu.sem_alloc : memref<!tpu.dma_semaphore, #tpu.memory_space<semaphore_mem>>
      %dma_start3A_70 = arith.constant 0 : i32
      %dma_start3A_71 = arith.constant 0 : i32
      %dma_start3A_72 = arith.constant 0 : i32
      %dma_start3A_73 = tpu.memref_slice %arg4[%add3A, %dma_start3A_70, %dma_start3A_71, %dma_start3A_72] : memref<32x2x128x32xf32, #tpu.memory_space<hbm>> -> memref<1x2x128x32xf32, #tpu.memory_space<hbm>>
      %dma_start3A_74 = tpu.memref_squeeze %dma_start3A_73 : memref<1x2x128x32xf32, #tpu.memory_space<hbm>> -> memref<2x128x32xf32, #tpu.memory_space<hbm>>
      %dma_start3A_75 = arith.constant 0 : i32
      %dma_start3A_76 = arith.constant 0 : i32
      %dma_start3A_77 = arith.constant 0 : i32
      %dma_start3A_78 = tpu.memref_slice %arg4[%add3A, %dma_start3A_75, %dma_start3A_76, %dma_start3A_77] : memref<32x2x128x32xf32, #tpu.memory_space<hbm>> -> memref<1x2x128x32xf32, #tpu.memory_space<hbm>>
      %dma_start3A_79 = tpu.memref_squeeze %dma_start3A_78 : memref<1x2x128x32xf32, #tpu.memory_space<hbm>> -> memref<2x128x32xf32, #tpu.memory_space<hbm>>
      tpu.enqueue_dma source(%arg7 : memref<2x128x32xf32, #tpu.memory_space<vmem>>) target(%dma_start3A_79 : memref<2x128x32xf32, #tpu.memory_space<hbm>>) target_semaphore(%run_scoped3A_69 : memref<!tpu.dma_semaphore, #tpu.memory_space<semaphore_mem>>)
      %dma_wait3A_80 = arith.constant 0 : i32
      %dma_wait3A_81 = arith.constant 0 : i32
      %dma_wait3A_82 = arith.constant 0 : i32
      %dma_wait3A_83 = tpu.memref_slice %arg4[%add3A, %dma_wait3A_80, %dma_wait3A_81, %dma_wait3A_82] : memref<32x2x128x32xf32, #tpu.memory_space<hbm>> -> memref<1x2x128x32xf32, #tpu.memory_space<hbm>>
      %dma_wait3A_84 = tpu.memref_squeeze %dma_wait3A_83 : memref<1x2x128x32xf32, #tpu.memory_space<hbm>> -> memref<2x128x32xf32, #tpu.memory_space<hbm>>
      %dma_wait3A_85 = arith.constant 0 : i32
      %dma_wait3A_86 = arith.constant 0 : i32
      %dma_wait3A_87 = arith.constant 0 : i32
      %dma_wait3A_88 = tpu.memref_slice %arg4[%add3A, %dma_wait3A_85, %dma_wait3A_86, %dma_wait3A_87] : memref<32x2x128x32xf32, #tpu.memory_space<hbm>> -> memref<1x2x128x32xf32, #tpu.memory_space<hbm>>
      %dma_wait3A_89 = tpu.memref_squeeze %dma_wait3A_88 : memref<1x2x128x32xf32, #tpu.memory_space<hbm>> -> memref<2x128x32xf32, #tpu.memory_space<hbm>>
      tpu.wait_dma2 semaphore(%run_scoped3A_69 : memref<!tpu.dma_semaphore, #tpu.memory_space<semaphore_mem>>) src(%arg7 : memref<2x128x32xf32, #tpu.memory_space<vmem>>) dst(%dma_wait3A_89 : memref<2x128x32xf32, #tpu.memory_space<hbm>>)
      tpu.yield
    }) : () -> ()
    %barrier3A_63 = arith.constant 0 : index
    tpu.barrier barrier_id(%barrier3A_63)
    %eq3A_64 = arith.constant 0 : i32
    %eq3A_65 = arith.cmpi eq, %arg1, %eq3A_64 : i32
    %convert_element_type3A_66 = arith.extui %eq3A_65 : i1 to i32
    %cond3A_67 = arith.constant 0 : i32
    %cond3A_68 = arith.cmpi ne, %convert_element_type3A_66, %cond3A_67 : i32
    scf.if %cond3A_68 {
      "tpu.region"() ({
        %run_scoped3A_69 = tpu.sem_alloc : memref<!tpu.dma_semaphore, #tpu.memory_space<semaphore_mem>>
        %dma_start3A_70 = arith.constant 0 : i32
        %dma_start3A_71 = tpu.memref_slice %arg5[%arg0, %dma_start3A_70] : memref<2x512xf32, #tpu.memory_space<hbm>> -> memref<1x512xf32, #tpu.memory_space<hbm>>
        %dma_start3A_72 = tpu.memref_squeeze %dma_start3A_71 : memref<1x512xf32, #tpu.memory_space<hbm>> -> memref<512xf32, #tpu.memory_space<hbm>>
        tpu.enqueue_dma source(%arg10 : memref<512xf32, #tpu.memory_space<vmem_shared>>) target(%dma_start3A_72 : memref<512xf32, #tpu.memory_space<hbm>>) target_semaphore(%run_scoped3A_69 : memref<!tpu.dma_semaphore, #tpu.memory_space<semaphore_mem>>)
        %dma_wait3A_73 = arith.constant 0 : i32
        %dma_wait3A_74 = tpu.memref_slice %arg5[%arg0, %dma_wait3A_73] : memref<2x512xf32, #tpu.memory_space<hbm>> -> memref<1x512xf32, #tpu.memory_space<hbm>>
        %dma_wait3A_75 = tpu.memref_squeeze %dma_wait3A_74 : memref<1x512xf32, #tpu.memory_space<hbm>> -> memref<512xf32, #tpu.memory_space<hbm>>
        tpu.wait_dma2 semaphore(%run_scoped3A_69 : memref<!tpu.dma_semaphore, #tpu.memory_space<semaphore_mem>>) src(%arg10 : memref<512xf32, #tpu.memory_space<vmem_shared>>) dst(%dma_wait3A_75 : memref<512xf32, #tpu.memory_space<hbm>>)
        tpu.yield
      }) : () -> ()
    } else {
    }
    return
  }
}

#map = affine_map<(d0, d1) -> (0, 0)>
#map1 = affine_map<(d0, d1) -> (0, 0, 0)>
#map2 = affine_map<(d0, d1) -> (0, 0, 0, 0)>
module attributes {stable_mosaic.version = 14 : i64} {
  func.func @_sc_body(%arg0: i32, %arg1: i32, %arg2: memref<1024x32xf32, #tpu.memory_space<hbm>>, %arg3: memref<32x2x128xi32, #tpu.memory_space<hbm>>, %arg4: memref<32x2x128x32xf32, #tpu.memory_space<hbm>>, %arg5: memref<2x1024xf32, #tpu.memory_space<hbm>>, %arg6: memref<2x128xi32, #tpu.memory_space<vmem>>, %arg7: memref<2x128x32xf32, #tpu.memory_space<vmem>>, %arg8: memref<1024xf32, #tpu.memory_space<vmem>>, %arg9: memref<128xf32, #tpu.memory_space<vmem>>, %arg10: memref<1024xf32, #tpu.memory_space<vmem_shared>>, %arg11: memref<!tpu.dma_semaphore, #tpu.memory_space<semaphore_mem>>) attributes {dimension_semantics = [#tpu.dimension_semantics<core_parallel>, #tpu.dimension_semantics<subcore_parallel>], iteration_bounds = array<i64: 2, 16>, scalar_prefetch = 0 : i64, scratch_operands = 6 : i64, tpu.core_type = #tpu.core_type<sc_vector_subcore>, window_params = [{transform_indices = #map}, {transform_indices = #map1}, {transform_indices = #map2}, {transform_indices = #map}]} {
    %mul3A = arith.constant 16 : i32
    %mul3A_0 = arith.muli %arg0, %mul3A : i32
    %add3A = arith.addi %mul3A_0, %arg1 : i32
    %scan3A = arith.constant 0 : i32
    %scan3A_1 = arith.constant 0 : i32
    %scan3A_2 = arith.constant 64 : i32
    %scan3A_3 = arith.addi %scan3A_1, %scan3A_2 : i32
    %scan3A_4 = arith.constant 1 : i32
    %scan3A_5 = scf.for %scan3A_69 = %scan3A_1 to %scan3A_3 step %scan3A_4 iter_args(%scan3A_70 = %scan3A) -> (i32)  : i32 {
      %broadcast_in_dim3A = arith.constant 0.000000e+00 : f32
      %broadcast_in_dim3A_71 = vector.broadcast %broadcast_in_dim3A : f32 to vector<16xf32>
      %mul3A_72 = arith.constant 16 : i32
      %mul3A_73 = arith.muli %scan3A_69, %mul3A_72 : i32
      %swap3A = arith.index_cast %mul3A_73 : i32 to index
      %swap3A_74 = tpu.vector_load %arg8[%swap3A] {strides = array<i32>} : memref<1024xf32, #tpu.memory_space<vmem>>, vector<16xf32>,
      %swap3A_75 = vector.shape_cast %swap3A_74 : vector<16xf32> to vector<16xf32>
      %swap3A_76 = vector.shape_cast %broadcast_in_dim3A_71 : vector<16xf32> to vector<16xf32>
      tpu.vector_store %arg8[%swap3A], %swap3A_76 {strides = array<i32>} : memref<1024xf32, #tpu.memory_space<vmem>>, vector<16xf32>,
      %scan3A_77 = arith.constant 0 : i32
      scf.yield %scan3A_77 : i32
    }
    %scan3A_6 = arith.constant 64 : i32
    %scan3A_7 = arith.constant 0 : i32
    %scan3A_8 = arith.constant 0 : i32
    %scan3A_9 = arith.constant 8 : i32
    %scan3A_10 = arith.addi %scan3A_8, %scan3A_9 : i32
    %scan3A_11 = arith.constant 1 : i32
    %scan3A_12 = scf.for %scan3A_69 = %scan3A_8 to %scan3A_10 step %scan3A_11 iter_args(%scan3A_70 = %scan3A_7) -> (i32)  : i32 {
      %broadcast_in_dim3A = arith.constant 1.000000e+00 : f32
      %broadcast_in_dim3A_71 = vector.broadcast %broadcast_in_dim3A : f32 to vector<16xf32>
      %mul3A_72 = arith.constant 16 : i32
      %mul3A_73 = arith.muli %scan3A_69, %mul3A_72 : i32
      %swap3A = arith.index_cast %mul3A_73 : i32 to index
      %swap3A_74 = tpu.vector_load %arg9[%swap3A] {strides = array<i32>} : memref<128xf32, #tpu.memory_space<vmem>>, vector<16xf32>,
      %swap3A_75 = vector.shape_cast %swap3A_74 : vector<16xf32> to vector<16xf32>
      %swap3A_76 = vector.shape_cast %broadcast_in_dim3A_71 : vector<16xf32> to vector<16xf32>
      tpu.vector_store %arg9[%swap3A], %swap3A_76 {strides = array<i32>} : memref<128xf32, #tpu.memory_space<vmem>>, vector<16xf32>,
      %scan3A_77 = arith.constant 0 : i32
      scf.yield %scan3A_77 : i32
    }
    %scan3A_13 = arith.constant 8 : i32
    %eq3A = arith.constant 0 : i32
    %eq3A_14 = arith.cmpi eq, %arg1, %eq3A : i32
    %convert_element_type3A = arith.extui %eq3A_14 : i1 to i32
    %cond3A = arith.constant 0 : i32
    %cond3A_15 = arith.cmpi ne, %convert_element_type3A, %cond3A : i32
    scf.if %cond3A_15 {
      "tpu.region"() ({
        %run_scoped3A_69 = tpu.sem_alloc : memref<!tpu.dma_semaphore, #tpu.memory_space<semaphore_mem>>
        tpu.enqueue_dma source(%arg8 : memref<1024xf32, #tpu.memory_space<vmem>>) target(%arg10 : memref<1024xf32, #tpu.memory_space<vmem_shared>>) target_semaphore(%run_scoped3A_69 : memref<!tpu.dma_semaphore, #tpu.memory_space<semaphore_mem>>)
        tpu.wait_dma2 semaphore(%run_scoped3A_69 : memref<!tpu.dma_semaphore, #tpu.memory_space<semaphore_mem>>) src(%arg8 : memref<1024xf32, #tpu.memory_space<vmem>>) dst(%arg10 : memref<1024xf32, #tpu.memory_space<vmem_shared>>)
        tpu.yield
      }) : () -> ()
    } else {
    }
    %barrier3A = arith.constant 0 : index
    tpu.barrier barrier_id(%barrier3A)
    "tpu.region"() ({
      %run_scoped3A_69 = tpu.sem_alloc : memref<!tpu.dma_semaphore, #tpu.memory_space<semaphore_mem>>
      %dma_start3A_70 = arith.constant 0 : i32
      %dma_start3A_71 = arith.constant 0 : i32
      %dma_start3A_72 = tpu.memref_slice %arg3[%add3A, %dma_start3A_70, %dma_start3A_71] : memref<32x2x128xi32, #tpu.memory_space<hbm>> -> memref<1x2x128xi32, #tpu.memory_space<hbm>>
      %dma_start3A_73 = tpu.memref_squeeze %dma_start3A_72 : memref<1x2x128xi32, #tpu.memory_space<hbm>> -> memref<2x128xi32, #tpu.memory_space<hbm>>
      %dma_start3A_74 = arith.constant 0 : i32
      %dma_start3A_75 = arith.constant 0 : i32
      %dma_start3A_76 = tpu.memref_slice %arg3[%add3A, %dma_start3A_74, %dma_start3A_75] : memref<32x2x128xi32, #tpu.memory_space<hbm>> -> memref<1x2x128xi32, #tpu.memory_space<hbm>>
      %dma_start3A_77 = tpu.memref_squeeze %dma_start3A_76 : memref<1x2x128xi32, #tpu.memory_space<hbm>> -> memref<2x128xi32, #tpu.memory_space<hbm>>
      tpu.enqueue_dma source(%dma_start3A_77 : memref<2x128xi32, #tpu.memory_space<hbm>>) target(%arg6 : memref<2x128xi32, #tpu.memory_space<vmem>>) target_semaphore(%run_scoped3A_69 : memref<!tpu.dma_semaphore, #tpu.memory_space<semaphore_mem>>)
      %dma_wait3A_78 = arith.constant 0 : i32
      %dma_wait3A_79 = arith.constant 0 : i32
      %dma_wait3A_80 = tpu.memref_slice %arg3[%add3A, %dma_wait3A_78, %dma_wait3A_79] : memref<32x2x128xi32, #tpu.memory_space<hbm>> -> memref<1x2x128xi32, #tpu.memory_space<hbm>>
      %dma_wait3A_81 = tpu.memref_squeeze %dma_wait3A_80 : memref<1x2x128xi32, #tpu.memory_space<hbm>> -> memref<2x128xi32, #tpu.memory_space<hbm>>
      %dma_wait3A_82 = arith.constant 0 : i32
      %dma_wait3A_83 = arith.constant 0 : i32
      %dma_wait3A_84 = tpu.memref_slice %arg3[%add3A, %dma_wait3A_82, %dma_wait3A_83] : memref<32x2x128xi32, #tpu.memory_space<hbm>> -> memref<1x2x128xi32, #tpu.memory_space<hbm>>
      %dma_wait3A_85 = tpu.memref_squeeze %dma_wait3A_84 : memref<1x2x128xi32, #tpu.memory_space<hbm>> -> memref<2x128xi32, #tpu.memory_space<hbm>>
      tpu.wait_dma2 semaphore(%run_scoped3A_69 : memref<!tpu.dma_semaphore, #tpu.memory_space<semaphore_mem>>) src(%dma_wait3A_85 : memref<2x128xi32, #tpu.memory_space<hbm>>) dst(%arg6 : memref<2x128xi32, #tpu.memory_space<vmem>>)
      tpu.yield
    }) : () -> ()
    %dma_start3A = arith.constant 0 : i32
    %dma_start3A_16 = arith.constant 0 : i32
    %dma_start3A_17 = arith.constant 0 : i32
    %dma_start3A_18 = arith.constant 0 : i32
    %dma_start3A_19 = tpu.memref_slice %arg7[%dma_start3A_16, %dma_start3A_17, %dma_start3A_18] : memref<2x128x32xf32, #tpu.memory_space<vmem>> -> memref<1x128x32xf32, #tpu.memory_space<vmem>>
    %dma_start3A_20 = tpu.memref_squeeze %dma_start3A_19 : memref<1x128x32xf32, #tpu.memory_space<vmem>> -> memref<128x32xf32, #tpu.memory_space<vmem>>
    %dma_start3A_21 = arith.constant 0 : i32
    %dma_start3A_22 = tpu.memref_slice %arg6[%dma_start3A, %dma_start3A_21] : memref<2x128xi32, #tpu.memory_space<vmem>> -> memref<1x128xi32, #tpu.memory_space<vmem>>
    %dma_start3A_23 = tpu.memref_squeeze %dma_start3A_22 : memref<1x128xi32, #tpu.memory_space<vmem>> -> memref<128xi32, #tpu.memory_space<vmem>>
    %dma_start3A_24 = arith.constant 0 : i32
    %dma_start3A_25 = arith.constant 0 : i32
    %dma_start3A_26 = tpu.memref_slice %arg2[%dma_start3A_24, %dma_start3A_25] : memref<1024x32xf32, #tpu.memory_space<hbm>> -> memref<1024x32xf32, #tpu.memory_space<hbm>>
    tpu.enqueue_indirect_dma source(%dma_start3A_26 : memref<1024x32xf32, #tpu.memory_space<hbm>>) target(%dma_start3A_20 : memref<128x32xf32, #tpu.memory_space<vmem>>) offsets(%dma_start3A_23 : memref<128xi32, #tpu.memory_space<vmem>>) semaphore(%arg11 : memref<!tpu.dma_semaphore, #tpu.memory_space<semaphore_mem>>)
    %dma_wait3A = arith.constant 0 : i32
    %dma_wait3A_27 = arith.constant 0 : i32
    %dma_wait3A_28 = arith.constant 0 : i32
    %dma_wait3A_29 = arith.constant 0 : i32
    %dma_wait3A_30 = tpu.memref_slice %arg7[%dma_wait3A_27, %dma_wait3A_28, %dma_wait3A_29] : memref<2x128x32xf32, #tpu.memory_space<vmem>> -> memref<1x128x32xf32, #tpu.memory_space<vmem>>
    %dma_wait3A_31 = tpu.memref_squeeze %dma_wait3A_30 : memref<1x128x32xf32, #tpu.memory_space<vmem>> -> memref<128x32xf32, #tpu.memory_space<vmem>>
    %dma_wait3A_32 = arith.constant 0 : i32
    %dma_wait3A_33 = tpu.memref_slice %arg6[%dma_wait3A, %dma_wait3A_32] : memref<2x128xi32, #tpu.memory_space<vmem>> -> memref<1x128xi32, #tpu.memory_space<vmem>>
    %dma_wait3A_34 = tpu.memref_squeeze %dma_wait3A_33 : memref<1x128xi32, #tpu.memory_space<vmem>> -> memref<128xi32, #tpu.memory_space<vmem>>
    %dma_wait3A_35 = arith.constant 0 : i32
    %dma_wait3A_36 = arith.constant 0 : i32
    %dma_wait3A_37 = tpu.memref_slice %arg2[%dma_wait3A_35, %dma_wait3A_36] : memref<1024x32xf32, #tpu.memory_space<hbm>> -> memref<1024x32xf32, #tpu.memory_space<hbm>>
    tpu.wait_indirect_dma semaphore(%arg11 : memref<!tpu.dma_semaphore, #tpu.memory_space<semaphore_mem>>) src(%dma_wait3A_37 : memref<1024x32xf32, #tpu.memory_space<hbm>>) dst(%dma_wait3A_31 : memref<128x32xf32, #tpu.memory_space<vmem>>)
    %run_scoped3A = arith.constant 0 : i32
    "tpu.region"() ({
      %run_scoped3A_69 = tpu.sem_alloc : memref<!tpu.dma_semaphore, #tpu.memory_space<semaphore_mem>>
      %dma_start3A_70 = arith.constant 0 : i32
      %dma_start3A_71 = tpu.memref_slice %arg6[%run_scoped3A, %dma_start3A_70] : memref<2x128xi32, #tpu.memory_space<vmem>> -> memref<1x128xi32, #tpu.memory_space<vmem>>
      %dma_start3A_72 = tpu.memref_squeeze %dma_start3A_71 : memref<1x128xi32, #tpu.memory_space<vmem>> -> memref<128xi32, #tpu.memory_space<vmem>>
      %dma_start3A_73 = arith.constant 0 : i32
      %dma_start3A_74 = tpu.memref_slice %arg10[%dma_start3A_73] : memref<1024xf32, #tpu.memory_space<vmem_shared>> -> memref<1024xf32, #tpu.memory_space<vmem_shared>>
      tpu.enqueue_indirect_dma source(%arg9 : memref<128xf32, #tpu.memory_space<vmem>>) target(%dma_start3A_74 : memref<1024xf32, #tpu.memory_space<vmem_shared>>) offsets(%dma_start3A_72 : memref<128xi32, #tpu.memory_space<vmem>>) semaphore(%run_scoped3A_69 : memref<!tpu.dma_semaphore, #tpu.memory_space<semaphore_mem>>) {add = true}
      %dma_wait3A_75 = arith.constant 0 : i32
      %dma_wait3A_76 = tpu.memref_slice %arg6[%run_scoped3A, %dma_wait3A_75] : memref<2x128xi32, #tpu.memory_space<vmem>> -> memref<1x128xi32, #tpu.memory_space<vmem>>
      %dma_wait3A_77 = tpu.memref_squeeze %dma_wait3A_76 : memref<1x128xi32, #tpu.memory_space<vmem>> -> memref<128xi32, #tpu.memory_space<vmem>>
      %dma_wait3A_78 = arith.constant 0 : i32
      %dma_wait3A_79 = tpu.memref_slice %arg10[%dma_wait3A_78] : memref<1024xf32, #tpu.memory_space<vmem_shared>> -> memref<1024xf32, #tpu.memory_space<vmem_shared>>
      tpu.wait_indirect_dma semaphore(%run_scoped3A_69 : memref<!tpu.dma_semaphore, #tpu.memory_space<semaphore_mem>>) src(%arg9 : memref<128xf32, #tpu.memory_space<vmem>>) dst(%dma_wait3A_79 : memref<1024xf32, #tpu.memory_space<vmem_shared>>)
      tpu.yield
    }) : () -> ()
    %dma_start3A_38 = arith.constant 1 : i32
    %dma_start3A_39 = arith.constant 1 : i32
    %dma_start3A_40 = arith.constant 0 : i32
    %dma_start3A_41 = arith.constant 0 : i32
    %dma_start3A_42 = tpu.memref_slice %arg7[%dma_start3A_39, %dma_start3A_40, %dma_start3A_41] : memref<2x128x32xf32, #tpu.memory_space<vmem>> -> memref<1x128x32xf32, #tpu.memory_space<vmem>>
    %dma_start3A_43 = tpu.memref_squeeze %dma_start3A_42 : memref<1x128x32xf32, #tpu.memory_space<vmem>> -> memref<128x32xf32, #tpu.memory_space<vmem>>
    %dma_start3A_44 = arith.constant 0 : i32
    %dma_start3A_45 = tpu.memref_slice %arg6[%dma_start3A_38, %dma_start3A_44] : memref<2x128xi32, #tpu.memory_space<vmem>> -> memref<1x128xi32, #tpu.memory_space<vmem>>
    %dma_start3A_46 = tpu.memref_squeeze %dma_start3A_45 : memref<1x128xi32, #tpu.memory_space<vmem>> -> memref<128xi32, #tpu.memory_space<vmem>>
    %dma_start3A_47 = arith.constant 0 : i32
    %dma_start3A_48 = arith.constant 0 : i32
    %dma_start3A_49 = tpu.memref_slice %arg2[%dma_start3A_47, %dma_start3A_48] : memref<1024x32xf32, #tpu.memory_space<hbm>> -> memref<1024x32xf32, #tpu.memory_space<hbm>>
    tpu.enqueue_indirect_dma source(%dma_start3A_49 : memref<1024x32xf32, #tpu.memory_space<hbm>>) target(%dma_start3A_43 : memref<128x32xf32, #tpu.memory_space<vmem>>) offsets(%dma_start3A_46 : memref<128xi32, #tpu.memory_space<vmem>>) semaphore(%arg11 : memref<!tpu.dma_semaphore, #tpu.memory_space<semaphore_mem>>)
    %dma_wait3A_50 = arith.constant 1 : i32
    %dma_wait3A_51 = arith.constant 1 : i32
    %dma_wait3A_52 = arith.constant 0 : i32
    %dma_wait3A_53 = arith.constant 0 : i32
    %dma_wait3A_54 = tpu.memref_slice %arg7[%dma_wait3A_51, %dma_wait3A_52, %dma_wait3A_53] : memref<2x128x32xf32, #tpu.memory_space<vmem>> -> memref<1x128x32xf32, #tpu.memory_space<vmem>>
    %dma_wait3A_55 = tpu.memref_squeeze %dma_wait3A_54 : memref<1x128x32xf32, #tpu.memory_space<vmem>> -> memref<128x32xf32, #tpu.memory_space<vmem>>
    %dma_wait3A_56 = arith.constant 0 : i32
    %dma_wait3A_57 = tpu.memref_slice %arg6[%dma_wait3A_50, %dma_wait3A_56] : memref<2x128xi32, #tpu.memory_space<vmem>> -> memref<1x128xi32, #tpu.memory_space<vmem>>
    %dma_wait3A_58 = tpu.memref_squeeze %dma_wait3A_57 : memref<1x128xi32, #tpu.memory_space<vmem>> -> memref<128xi32, #tpu.memory_space<vmem>>
    %dma_wait3A_59 = arith.constant 0 : i32
    %dma_wait3A_60 = arith.constant 0 : i32
    %dma_wait3A_61 = tpu.memref_slice %arg2[%dma_wait3A_59, %dma_wait3A_60] : memref<1024x32xf32, #tpu.memory_space<hbm>> -> memref<1024x32xf32, #tpu.memory_space<hbm>>
    tpu.wait_indirect_dma semaphore(%arg11 : memref<!tpu.dma_semaphore, #tpu.memory_space<semaphore_mem>>) src(%dma_wait3A_61 : memref<1024x32xf32, #tpu.memory_space<hbm>>) dst(%dma_wait3A_55 : memref<128x32xf32, #tpu.memory_space<vmem>>)
    %run_scoped3A_62 = arith.constant 1 : i32
    "tpu.region"() ({
      %run_scoped3A_69 = tpu.sem_alloc : memref<!tpu.dma_semaphore, #tpu.memory_space<semaphore_mem>>
      %dma_start3A_70 = arith.constant 0 : i32
      %dma_start3A_71 = tpu.memref_slice %arg6[%run_scoped3A_62, %dma_start3A_70] : memref<2x128xi32, #tpu.memory_space<vmem>> -> memref<1x128xi32, #tpu.memory_space<vmem>>
      %dma_start3A_72 = tpu.memref_squeeze %dma_start3A_71 : memref<1x128xi32, #tpu.memory_space<vmem>> -> memref<128xi32, #tpu.memory_space<vmem>>
      %dma_start3A_73 = arith.constant 0 : i32
      %dma_start3A_74 = tpu.memref_slice %arg10[%dma_start3A_73] : memref<1024xf32, #tpu.memory_space<vmem_shared>> -> memref<1024xf32, #tpu.memory_space<vmem_shared>>
      tpu.enqueue_indirect_dma source(%arg9 : memref<128xf32, #tpu.memory_space<vmem>>) target(%dma_start3A_74 : memref<1024xf32, #tpu.memory_space<vmem_shared>>) offsets(%dma_start3A_72 : memref<128xi32, #tpu.memory_space<vmem>>) semaphore(%run_scoped3A_69 : memref<!tpu.dma_semaphore, #tpu.memory_space<semaphore_mem>>) {add = true}
      %dma_wait3A_75 = arith.constant 0 : i32
      %dma_wait3A_76 = tpu.memref_slice %arg6[%run_scoped3A_62, %dma_wait3A_75] : memref<2x128xi32, #tpu.memory_space<vmem>> -> memref<1x128xi32, #tpu.memory_space<vmem>>
      %dma_wait3A_77 = tpu.memref_squeeze %dma_wait3A_76 : memref<1x128xi32, #tpu.memory_space<vmem>> -> memref<128xi32, #tpu.memory_space<vmem>>
      %dma_wait3A_78 = arith.constant 0 : i32
      %dma_wait3A_79 = tpu.memref_slice %arg10[%dma_wait3A_78] : memref<1024xf32, #tpu.memory_space<vmem_shared>> -> memref<1024xf32, #tpu.memory_space<vmem_shared>>
      tpu.wait_indirect_dma semaphore(%run_scoped3A_69 : memref<!tpu.dma_semaphore, #tpu.memory_space<semaphore_mem>>) src(%arg9 : memref<128xf32, #tpu.memory_space<vmem>>) dst(%dma_wait3A_79 : memref<1024xf32, #tpu.memory_space<vmem_shared>>)
      tpu.yield
    }) : () -> ()
    "tpu.region"() ({
      %run_scoped3A_69 = tpu.sem_alloc : memref<!tpu.dma_semaphore, #tpu.memory_space<semaphore_mem>>
      %dma_start3A_70 = arith.constant 0 : i32
      %dma_start3A_71 = arith.constant 0 : i32
      %dma_start3A_72 = arith.constant 0 : i32
      %dma_start3A_73 = tpu.memref_slice %arg4[%add3A, %dma_start3A_70, %dma_start3A_71, %dma_start3A_72] : memref<32x2x128x32xf32, #tpu.memory_space<hbm>> -> memref<1x2x128x32xf32, #tpu.memory_space<hbm>>
      %dma_start3A_74 = tpu.memref_squeeze %dma_start3A_73 : memref<1x2x128x32xf32, #tpu.memory_space<hbm>> -> memref<2x128x32xf32, #tpu.memory_space<hbm>>
      %dma_start3A_75 = arith.constant 0 : i32
      %dma_start3A_76 = arith.constant 0 : i32
      %dma_start3A_77 = arith.constant 0 : i32
      %dma_start3A_78 = tpu.memref_slice %arg4[%add3A, %dma_start3A_75, %dma_start3A_76, %dma_start3A_77] : memref<32x2x128x32xf32, #tpu.memory_space<hbm>> -> memref<1x2x128x32xf32, #tpu.memory_space<hbm>>
      %dma_start3A_79 = tpu.memref_squeeze %dma_start3A_78 : memref<1x2x128x32xf32, #tpu.memory_space<hbm>> -> memref<2x128x32xf32, #tpu.memory_space<hbm>>
      tpu.enqueue_dma source(%arg7 : memref<2x128x32xf32, #tpu.memory_space<vmem>>) target(%dma_start3A_79 : memref<2x128x32xf32, #tpu.memory_space<hbm>>) target_semaphore(%run_scoped3A_69 : memref<!tpu.dma_semaphore, #tpu.memory_space<semaphore_mem>>)
      %dma_wait3A_80 = arith.constant 0 : i32
      %dma_wait3A_81 = arith.constant 0 : i32
      %dma_wait3A_82 = arith.constant 0 : i32
      %dma_wait3A_83 = tpu.memref_slice %arg4[%add3A, %dma_wait3A_80, %dma_wait3A_81, %dma_wait3A_82] : memref<32x2x128x32xf32, #tpu.memory_space<hbm>> -> memref<1x2x128x32xf32, #tpu.memory_space<hbm>>
      %dma_wait3A_84 = tpu.memref_squeeze %dma_wait3A_83 : memref<1x2x128x32xf32, #tpu.memory_space<hbm>> -> memref<2x128x32xf32, #tpu.memory_space<hbm>>
      %dma_wait3A_85 = arith.constant 0 : i32
      %dma_wait3A_86 = arith.constant 0 : i32
      %dma_wait3A_87 = arith.constant 0 : i32
      %dma_wait3A_88 = tpu.memref_slice %arg4[%add3A, %dma_wait3A_85, %dma_wait3A_86, %dma_wait3A_87] : memref<32x2x128x32xf32, #tpu.memory_space<hbm>> -> memref<1x2x128x32xf32, #tpu.memory_space<hbm>>
      %dma_wait3A_89 = tpu.memref_squeeze %dma_wait3A_88 : memref<1x2x128x32xf32, #tpu.memory_space<hbm>> -> memref<2x128x32xf32, #tpu.memory_space<hbm>>
      tpu.wait_dma2 semaphore(%run_scoped3A_69 : memref<!tpu.dma_semaphore, #tpu.memory_space<semaphore_mem>>) src(%arg7 : memref<2x128x32xf32, #tpu.memory_space<vmem>>) dst(%dma_wait3A_89 : memref<2x128x32xf32, #tpu.memory_space<hbm>>)
      tpu.yield
    }) : () -> ()
    %barrier3A_63 = arith.constant 0 : index
    tpu.barrier barrier_id(%barrier3A_63)
    %eq3A_64 = arith.constant 0 : i32
    %eq3A_65 = arith.cmpi eq, %arg1, %eq3A_64 : i32
    %convert_element_type3A_66 = arith.extui %eq3A_65 : i1 to i32
    %cond3A_67 = arith.constant 0 : i32
    %cond3A_68 = arith.cmpi ne, %convert_element_type3A_66, %cond3A_67 : i32
    scf.if %cond3A_68 {
      "tpu.region"() ({
        %run_scoped3A_69 = tpu.sem_alloc : memref<!tpu.dma_semaphore, #tpu.memory_space<semaphore_mem>>
        %dma_start3A_70 = arith.constant 0 : i32
        %dma_start3A_71 = tpu.memref_slice %arg5[%arg0, %dma_start3A_70] : memref<2x1024xf32, #tpu.memory_space<hbm>> -> memref<1x1024xf32, #tpu.memory_space<hbm>>
        %dma_start3A_72 = tpu.memref_squeeze %dma_start3A_71 : memref<1x1024xf32, #tpu.memory_space<hbm>> -> memref<1024xf32, #tpu.memory_space<hbm>>
        tpu.enqueue_dma source(%arg10 : memref<1024xf32, #tpu.memory_space<vmem_shared>>) target(%dma_start3A_72 : memref<1024xf32, #tpu.memory_space<hbm>>) target_semaphore(%run_scoped3A_69 : memref<!tpu.dma_semaphore, #tpu.memory_space<semaphore_mem>>)
        %dma_wait3A_73 = arith.constant 0 : i32
        %dma_wait3A_74 = tpu.memref_slice %arg5[%arg0, %dma_wait3A_73] : memref<2x1024xf32, #tpu.memory_space<hbm>> -> memref<1x1024xf32, #tpu.memory_space<hbm>>
        %dma_wait3A_75 = tpu.memref_squeeze %dma_wait3A_74 : memref<1x1024xf32, #tpu.memory_space<hbm>> -> memref<1024xf32, #tpu.memory_space<hbm>>
        tpu.wait_dma2 semaphore(%run_scoped3A_69 : memref<!tpu.dma_semaphore, #tpu.memory_space<semaphore_mem>>) src(%arg10 : memref<1024xf32, #tpu.memory_space<vmem_shared>>) dst(%dma_wait3A_75 : memref<1024xf32, #tpu.memory_space<hbm>>)
        tpu.yield
      }) : () -> ()
    } else {
    }
    return
  }
}

module attributes {stable_mosaic.version = 14 : i64} {
  func.func @_argmin_body(%arg0: i32, %arg1: memref<8192x32xf32, #tpu.memory_space<vmem>>, %arg2: memref<1x32x1024xf32, #tpu.memory_space<vmem>>, %arg3: memref<1x1x1024xi32, #tpu.memory_space<vmem>>, %arg4: memref<1x1x1xf32, #tpu.memory_space<vmem>>, %arg5: memref<8192x1xf32, #tpu.memory_space<vmem>>, %arg6: memref<8192x32xbf16, #tpu.memory_space<vmem>>) attributes {dimension_semantics = [#tpu.dimension_semantics<arbitrary>], iteration_bounds = array<i64: 8>, scalar_prefetch = 0 : i64, scratch_operands = 2 : i64, tpu.core_type = #tpu.core_type<tc>, window_params = [{pipeline_mode = #tpu.pipeline_mode<synchronous>, transform_indices = @transform_0, window_bounds = array<i64: 8192, 32>}, {transform_indices = @transform_1, window_bounds = array<i64: 1, 32, 1024>}, {transform_indices = @transform_2, window_bounds = array<i64: 1, 1, 1024>}, {transform_indices = @transform_3, window_bounds = array<i64: 1, 1, 1>}]} {
    %get3A = arith.constant 0 : index
    %get3A_0 = arith.constant 0 : index
    %get3A_1 = arith.constant 0 : index
    %get3A_2 = vector.load %arg2[%get3A, %get3A_0, %get3A_1] : memref<1x32x1024xf32, #tpu.memory_space<vmem>>, vector<1x32x1024xf32>
    %get3A_3 = vector.shape_cast %get3A_2 : vector<1x32x1024xf32> to vector<32x1024xf32>
    %eq3A = arith.constant 0 : i32
    %eq3A_4 = arith.cmpi eq, %arg0, %eq3A : i32
    %convert_element_type3A = arith.extui %eq3A_4 : i1 to i32
    %cond3A = arith.constant 0 : i32
    %cond3A_5 = arith.cmpi ne, %convert_element_type3A, %cond3A : i32
    scf.if %cond3A_5 {
      %get3A_107 = arith.constant 0 : index
      %get3A_108 = arith.constant 0 : index
      %get3A_109 = vector.load %arg1[%get3A_107, %get3A_108] : memref<8192x32xf32, #tpu.memory_space<vmem>>, vector<8192x32xf32>
      %mul3A_110 = arith.mulf %get3A_109, %get3A_109 : vector<8192x32xf32>
      %reduce_sum3A_111 = arith.constant dense<0.000000e+00> : vector<8192xf32>
      %reduce_sum3A_112 = vector.multi_reduction <add>, %mul3A_110, %reduce_sum3A_111 [1] : vector<8192x32xf32> to vector<8192xf32>
      %broadcast_in_dim3A_113 = vector.shape_cast %reduce_sum3A_112 : vector<8192xf32> to vector<8192x1xf32>
      %swap3A_114 = arith.constant 0 : index
      %swap3A_115 = arith.constant 0 : index
      %swap3A_116 = vector.load %arg5[%swap3A_114, %swap3A_115] : memref<8192x1xf32, #tpu.memory_space<vmem>>, vector<8192x1xf32>
      tpu.vector_store %arg5[%swap3A_114, %swap3A_115], %broadcast_in_dim3A_113 {strides = array<i32>} : memref<8192x1xf32, #tpu.memory_space<vmem>>, vector<8192x1xf32>,
      %mul3A_117 = arith.constant -2.000000e+00 : f32
      %mul3A_118 = vector.broadcast %mul3A_117 : f32 to vector<8192x32xf32>
      %mul3A_119 = arith.mulf %mul3A_118, %get3A_109 : vector<8192x32xf32>
      %convert_element_type3A_120 = arith.truncf %mul3A_119 : vector<8192x32xf32> to vector<8192x32xbf16>
      %swap3A_121 = arith.constant 0 : index
      %swap3A_122 = arith.constant 0 : index
      %swap3A_123 = vector.load %arg6[%swap3A_121, %swap3A_122] : memref<8192x32xbf16, #tpu.memory_space<vmem>>, vector<8192x32xbf16>
      tpu.vector_store %arg6[%swap3A_121, %swap3A_122], %convert_element_type3A_120 {strides = array<i32>} : memref<8192x32xbf16, #tpu.memory_space<vmem>>, vector<8192x32xbf16>,
    } else {
    }
    %get3A_6 = arith.constant 0 : index
    %get3A_7 = arith.constant 0 : index
    %get3A_8 = vector.load %arg5[%get3A_6, %get3A_7] : memref<8192x1xf32, #tpu.memory_space<vmem>>, vector<8192x1xf32>
    %mul3A = arith.mulf %get3A_3, %get3A_3 : vector<32x1024xf32>
    %reduce_sum3A = arith.constant dense<0.000000e+00> : vector<1024xf32>
    %reduce_sum3A_9 = vector.multi_reduction <add>, %mul3A, %reduce_sum3A [0] : vector<32x1024xf32> to vector<1024xf32>
    %broadcast_in_dim3A = vector.shape_cast %reduce_sum3A_9 : vector<1024xf32> to vector<1x1024xf32>
    %get3A_10 = arith.constant 0 : index
    %get3A_11 = arith.constant 0 : index
    %get3A_12 = vector.load %arg6[%get3A_10, %get3A_11] : memref<8192x32xbf16, #tpu.memory_space<vmem>>, vector<8192x32xbf16>
    %convert_element_type3A_13 = arith.truncf %get3A_3 : vector<32x1024xf32> to vector<32x1024xbf16>
    %dot_general3A = arith.constant dense<0.000000e+00> : vector<8192x1024xf32>
    %dot_general3A_14 = tpu.matmul %get3A_12, %convert_element_type3A_13, %dot_general3A {dimension_numbers = #tpu.dot_dimension_numbers<[1], [0], [0], [1], [0, 0, 1, 1], [], []>, transpose_lhs_hint = false} : vector<8192x32xbf16>, vector<32x1024xbf16>, vector<8192x1024xf32> -> vector<8192x1024xf32>
    %add3A = vector.broadcast %broadcast_in_dim3A : vector<1x1024xf32> to vector<8192x1024xf32>
    %add3A_15 = vector.broadcast %get3A_8 : vector<8192x1xf32> to vector<8192x1024xf32>
    %add3A_16 = arith.addf %add3A, %add3A_15 : vector<8192x1024xf32>
    %add3A_17 = arith.addf %add3A_16, %dot_general3A_14 : vector<8192x1024xf32>
    %slice3A = vector.extract_strided_slice %add3A_17 {offsets = [0, 0], sizes = [2048, 1024], strides = [1, 1]} : vector<8192x1024xf32> to vector<2048x1024xf32>
    %reduce_min3A = arith.constant dense<0x7F800000> : vector<1024xf32>
    %reduce_min3A_18 = vector.multi_reduction <minimumf>, %slice3A, %reduce_min3A [0] : vector<2048x1024xf32> to vector<1024xf32>
    %broadcast_in_dim3A_19 = vector.shape_cast %reduce_min3A_18 : vector<1024xf32> to vector<1x1024xf32>
    %iota3A = tpu.iota {dimensions = array<i32: 0>} : vector<2048x1024xi32>
    %add3A_20 = arith.constant 0 : i32
    %add3A_21 = vector.broadcast %add3A_20 : i32 to vector<2048x1024xi32>
    %add3A_22 = arith.addi %add3A_21, %iota3A : vector<2048x1024xi32>
    %eq3A_23 = vector.broadcast %broadcast_in_dim3A_19 : vector<1x1024xf32> to vector<2048x1024xf32>
    %eq3A_24 = arith.cmpf oeq, %slice3A, %eq3A_23 : vector<2048x1024xf32>
    %jit3A = arith.constant 8192 : i32
    %broadcast_in_dim3A_25 = vector.broadcast %jit3A : i32 to vector<2048x1024xi32>
    %select_n3A = arith.select %eq3A_24, %add3A_22, %broadcast_in_dim3A_25 : vector<2048x1024xi1>, vector<2048x1024xi32>
    %reduce_min3A_26 = arith.constant dense<2147483647> : vector<1024xi32>
    %reduce_min3A_27 = vector.multi_reduction <minsi>, %select_n3A, %reduce_min3A_26 [0] : vector<2048x1024xi32> to vector<1024xi32>
    %broadcast_in_dim3A_28 = vector.shape_cast %reduce_min3A_27 : vector<1024xi32> to vector<1x1024xi32>
    %convert_element_type3A_29 = arith.truncf %broadcast_in_dim3A_19 : vector<1x1024xf32> to vector<1x1024xbf16>
    %convert_element_type3A_30 = arith.extf %convert_element_type3A_29 : vector<1x1024xbf16> to vector<1x1024xf32>
    %slice3A_31 = vector.extract_strided_slice %add3A_17 {offsets = [2048, 0], sizes = [2048, 1024], strides = [1, 1]} : vector<8192x1024xf32> to vector<2048x1024xf32>
    %reduce_min3A_32 = arith.constant dense<0x7F800000> : vector<1024xf32>
    %reduce_min3A_33 = vector.multi_reduction <minimumf>, %slice3A_31, %reduce_min3A_32 [0] : vector<2048x1024xf32> to vector<1024xf32>
    %broadcast_in_dim3A_34 = vector.shape_cast %reduce_min3A_33 : vector<1024xf32> to vector<1x1024xf32>
    %iota3A_35 = tpu.iota {dimensions = array<i32: 0>} : vector<2048x1024xi32>
    %add3A_36 = arith.constant 2048 : i32
    %add3A_37 = vector.broadcast %add3A_36 : i32 to vector<2048x1024xi32>
    %add3A_38 = arith.addi %add3A_37, %iota3A_35 : vector<2048x1024xi32>
    %eq3A_39 = vector.broadcast %broadcast_in_dim3A_34 : vector<1x1024xf32> to vector<2048x1024xf32>
    %eq3A_40 = arith.cmpf oeq, %slice3A_31, %eq3A_39 : vector<2048x1024xf32>
    %jit3A_41 = arith.constant 8192 : i32
    %broadcast_in_dim3A_42 = vector.broadcast %jit3A_41 : i32 to vector<2048x1024xi32>
    %select_n3A_43 = arith.select %eq3A_40, %add3A_38, %broadcast_in_dim3A_42 : vector<2048x1024xi1>, vector<2048x1024xi32>
    %reduce_min3A_44 = arith.constant dense<2147483647> : vector<1024xi32>
    %reduce_min3A_45 = vector.multi_reduction <minsi>, %select_n3A_43, %reduce_min3A_44 [0] : vector<2048x1024xi32> to vector<1024xi32>
    %broadcast_in_dim3A_46 = vector.shape_cast %reduce_min3A_45 : vector<1024xi32> to vector<1x1024xi32>
    %lt3A = arith.cmpf olt, %broadcast_in_dim3A_34, %convert_element_type3A_30 : vector<1x1024xf32>
    %select_n3A_47 = arith.select %lt3A, %broadcast_in_dim3A_46, %broadcast_in_dim3A_28 : vector<1x1024xi1>, vector<1x1024xi32>
    %select_n3A_48 = arith.select %lt3A, %broadcast_in_dim3A_34, %broadcast_in_dim3A_19 : vector<1x1024xi1>, vector<1x1024xf32>
    %select_n3A_49 = arith.select %lt3A, %broadcast_in_dim3A_34, %convert_element_type3A_30 : vector<1x1024xi1>, vector<1x1024xf32>
    %convert_element_type3A_50 = arith.truncf %select_n3A_49 : vector<1x1024xf32> to vector<1x1024xbf16>
    %convert_element_type3A_51 = arith.extf %convert_element_type3A_50 : vector<1x1024xbf16> to vector<1x1024xf32>
    %slice3A_52 = vector.extract_strided_slice %add3A_17 {offsets = [4096, 0], sizes = [2048, 1024], strides = [1, 1]} : vector<8192x1024xf32> to vector<2048x1024xf32>
    %reduce_min3A_53 = arith.constant dense<0x7F800000> : vector<1024xf32>
    %reduce_min3A_54 = vector.multi_reduction <minimumf>, %slice3A_52, %reduce_min3A_53 [0] : vector<2048x1024xf32> to vector<1024xf32>
    %broadcast_in_dim3A_55 = vector.shape_cast %reduce_min3A_54 : vector<1024xf32> to vector<1x1024xf32>
    %iota3A_56 = tpu.iota {dimensions = array<i32: 0>} : vector<2048x1024xi32>
    %add3A_57 = arith.constant 4096 : i32
    %add3A_58 = vector.broadcast %add3A_57 : i32 to vector<2048x1024xi32>
    %add3A_59 = arith.addi %add3A_58, %iota3A_56 : vector<2048x1024xi32>
    %eq3A_60 = vector.broadcast %broadcast_in_dim3A_55 : vector<1x1024xf32> to vector<2048x1024xf32>
    %eq3A_61 = arith.cmpf oeq, %slice3A_52, %eq3A_60 : vector<2048x1024xf32>
    %jit3A_62 = arith.constant 8192 : i32
    %broadcast_in_dim3A_63 = vector.broadcast %jit3A_62 : i32 to vector<2048x1024xi32>
    %select_n3A_64 = arith.select %eq3A_61, %add3A_59, %broadcast_in_dim3A_63 : vector<2048x1024xi1>, vector<2048x1024xi32>
    %reduce_min3A_65 = arith.constant dense<2147483647> : vector<1024xi32>
    %reduce_min3A_66 = vector.multi_reduction <minsi>, %select_n3A_64, %reduce_min3A_65 [0] : vector<2048x1024xi32> to vector<1024xi32>
    %broadcast_in_dim3A_67 = vector.shape_cast %reduce_min3A_66 : vector<1024xi32> to vector<1x1024xi32>
    %lt3A_68 = arith.cmpf olt, %broadcast_in_dim3A_55, %convert_element_type3A_51 : vector<1x1024xf32>
    %select_n3A_69 = arith.select %lt3A_68, %broadcast_in_dim3A_67, %select_n3A_47 : vector<1x1024xi1>, vector<1x1024xi32>
    %select_n3A_70 = arith.select %lt3A_68, %broadcast_in_dim3A_55, %select_n3A_48 : vector<1x1024xi1>, vector<1x1024xf32>
    %select_n3A_71 = arith.select %lt3A_68, %broadcast_in_dim3A_55, %convert_element_type3A_51 : vector<1x1024xi1>, vector<1x1024xf32>
    %convert_element_type3A_72 = arith.truncf %select_n3A_71 : vector<1x1024xf32> to vector<1x1024xbf16>
    %convert_element_type3A_73 = arith.extf %convert_element_type3A_72 : vector<1x1024xbf16> to vector<1x1024xf32>
    %slice3A_74 = vector.extract_strided_slice %add3A_17 {offsets = [6144, 0], sizes = [2048, 1024], strides = [1, 1]} : vector<8192x1024xf32> to vector<2048x1024xf32>
    %reduce_min3A_75 = arith.constant dense<0x7F800000> : vector<1024xf32>
    %reduce_min3A_76 = vector.multi_reduction <minimumf>, %slice3A_74, %reduce_min3A_75 [0] : vector<2048x1024xf32> to vector<1024xf32>
    %broadcast_in_dim3A_77 = vector.shape_cast %reduce_min3A_76 : vector<1024xf32> to vector<1x1024xf32>
    %iota3A_78 = tpu.iota {dimensions = array<i32: 0>} : vector<2048x1024xi32>
    %add3A_79 = arith.constant 6144 : i32
    %add3A_80 = vector.broadcast %add3A_79 : i32 to vector<2048x1024xi32>
    %add3A_81 = arith.addi %add3A_80, %iota3A_78 : vector<2048x1024xi32>
    %eq3A_82 = vector.broadcast %broadcast_in_dim3A_77 : vector<1x1024xf32> to vector<2048x1024xf32>
    %eq3A_83 = arith.cmpf oeq, %slice3A_74, %eq3A_82 : vector<2048x1024xf32>
    %jit3A_84 = arith.constant 8192 : i32
    %broadcast_in_dim3A_85 = vector.broadcast %jit3A_84 : i32 to vector<2048x1024xi32>
    %select_n3A_86 = arith.select %eq3A_83, %add3A_81, %broadcast_in_dim3A_85 : vector<2048x1024xi1>, vector<2048x1024xi32>
    %reduce_min3A_87 = arith.constant dense<2147483647> : vector<1024xi32>
    %reduce_min3A_88 = vector.multi_reduction <minsi>, %select_n3A_86, %reduce_min3A_87 [0] : vector<2048x1024xi32> to vector<1024xi32>
    %broadcast_in_dim3A_89 = vector.shape_cast %reduce_min3A_88 : vector<1024xi32> to vector<1x1024xi32>
    %lt3A_90 = arith.cmpf olt, %broadcast_in_dim3A_77, %convert_element_type3A_73 : vector<1x1024xf32>
    %select_n3A_91 = arith.select %lt3A_90, %broadcast_in_dim3A_89, %select_n3A_69 : vector<1x1024xi1>, vector<1x1024xi32>
    %select_n3A_92 = arith.select %lt3A_90, %broadcast_in_dim3A_77, %select_n3A_70 : vector<1x1024xi1>, vector<1x1024xf32>
    %swap3A = arith.constant 0 : index
    %swap3A_93 = arith.constant 0 : index
    %swap3A_94 = arith.constant 0 : index
    %swap3A_95 = vector.load %arg3[%swap3A, %swap3A_93, %swap3A_94] : memref<1x1x1024xi32, #tpu.memory_space<vmem>>, vector<1x1x1024xi32>
    %swap3A_96 = vector.shape_cast %swap3A_95 : vector<1x1x1024xi32> to vector<1x1024xi32>
    %swap3A_97 = vector.shape_cast %select_n3A_91 : vector<1x1024xi32> to vector<1x1x1024xi32>
    tpu.vector_store %arg3[%swap3A, %swap3A_93, %swap3A_94], %swap3A_97 {strides = array<i32>} : memref<1x1x1024xi32, #tpu.memory_space<vmem>>, vector<1x1x1024xi32>,
    %reduce_sum3A_98 = arith.constant dense<0.000000e+00> : vector<1xf32>
    %reduce_sum3A_99 = vector.multi_reduction <add>, %select_n3A_92, %reduce_sum3A_98 [1] : vector<1x1024xf32> to vector<1xf32>
    %broadcast_in_dim3A_100 = vector.shape_cast %reduce_sum3A_99 : vector<1xf32> to vector<1x1xf32>
    %swap3A_101 = arith.constant 0 : index
    %swap3A_102 = arith.constant 0 : index
    %swap3A_103 = arith.constant 0 : index
    %swap3A_104 = vector.load %arg4[%swap3A_101, %swap3A_102, %swap3A_103] : memref<1x1x1xf32, #tpu.memory_space<vmem>>, vector<1x1x1xf32>
    %swap3A_105 = vector.shape_cast %swap3A_104 : vector<1x1x1xf32> to vector<1x1xf32>
    %swap3A_106 = vector.shape_cast %broadcast_in_dim3A_100 : vector<1x1xf32> to vector<1x1x1xf32>
    tpu.vector_store %arg4[%swap3A_101, %swap3A_102, %swap3A_103], %swap3A_106 {strides = array<i32>} : memref<1x1x1xf32, #tpu.memory_space<vmem>>, vector<1x1x1xf32>,
    return
  }
  func.func @transform_0(%arg0: i32) -> (i32, i32) {
    %c0_i32 = arith.constant 0 : i32
    %c0_i32_0 = arith.constant 0 : i32
    %c0_i32_1 = arith.constant 0 : i32
    return %c0_i32, %c0_i32_0 : i32, i32
  }
  func.func @transform_1(%arg0: i32) -> (i32, i32, i32) {
    %jit3A = arith.constant 1 : i32
    %div3A = arith.divsi %arg0, %jit3A : i32
    %sign3A = arith.constant 0 : i32
    %sign3A_0 = arith.cmpi sgt, %arg0, %sign3A : i32
    %sign3A_1 = arith.extui %sign3A_0 : i1 to i32
    %sign3A_2 = arith.constant 0 : i32
    %sign3A_3 = arith.cmpi slt, %arg0, %sign3A_2 : i32
    %sign3A_4 = arith.extui %sign3A_3 : i1 to i32
    %sign3A_5 = arith.subi %sign3A_1, %sign3A_4 : i32
    %sign3A_6 = arith.constant 0 : i32
    %sign3A_7 = arith.cmpi sgt, %jit3A, %sign3A_6 : i32
    %sign3A_8 = arith.extui %sign3A_7 : i1 to i32
    %sign3A_9 = arith.constant 0 : i32
    %sign3A_10 = arith.cmpi slt, %jit3A, %sign3A_9 : i32
    %sign3A_11 = arith.extui %sign3A_10 : i1 to i32
    %sign3A_12 = arith.subi %sign3A_8, %sign3A_11 : i32
    %ne3A = arith.cmpi ne, %sign3A_5, %sign3A_12 : i32
    %rem3A = arith.remsi %arg0, %jit3A : i32
    %ne3A_13 = arith.constant 0 : i32
    %ne3A_14 = arith.cmpi ne, %rem3A, %ne3A_13 : i32
    %and3A = arith.andi %ne3A, %ne3A_14 : i1
    %sub3A = arith.constant 1 : i32
    %sub3A_15 = arith.subi %div3A, %sub3A : i32
    %select_n3A = arith.select %and3A, %sub3A_15, %div3A : i32
    %jit3A_16 = arith.constant 1 : i32
    %eq3A = arith.constant 0 : i32
    %eq3A_17 = arith.cmpi eq, %jit3A_16, %eq3A : i32
    %jit3A_18 = arith.constant 1 : i32
    %select_n3A_19 = arith.select %eq3A_17, %jit3A_18, %jit3A_16 : i32
    %rem3A_20 = arith.remsi %arg0, %select_n3A_19 : i32
    %ne3A_21 = arith.constant 0 : i32
    %ne3A_22 = arith.cmpi ne, %rem3A_20, %ne3A_21 : i32
    %lt3A = arith.constant 0 : i32
    %lt3A_23 = arith.cmpi slt, %rem3A_20, %lt3A : i32
    %lt3A_24 = arith.constant 0 : i32
    %lt3A_25 = arith.cmpi slt, %select_n3A_19, %lt3A_24 : i32
    %ne3A_26 = arith.xori %lt3A_23, %lt3A_25 : i1
    %and3A_27 = arith.andi %ne3A_26, %ne3A_22 : i1
    %add3A = arith.addi %rem3A_20, %select_n3A_19 : i32
    %select_n3A_28 = arith.select %and3A_27, %add3A, %rem3A_20 : i32
    %c0_i32 = arith.constant 0 : i32
    %c0_i32_29 = arith.constant 0 : i32
    return %select_n3A, %c0_i32, %select_n3A_28 : i32, i32, i32
  }
  func.func @transform_2(%arg0: i32) -> (i32, i32, i32) {
    %c0_i32 = arith.constant 0 : i32
    %c0_i32_0 = arith.constant 0 : i32
    %c0_i32_1 = arith.constant 0 : i32
    return %arg0, %c0_i32, %c0_i32_0 : i32, i32, i32
  }
  func.func @transform_3(%arg0: i32) -> (i32, i32, i32) {
    %c0_i32 = arith.constant 0 : i32
    %c0_i32_0 = arith.constant 0 : i32
    %c0_i32_1 = arith.constant 0 : i32
    return %arg0, %c0_i32, %c0_i32_0 : i32, i32, i32
  }
}

module attributes {stable_mosaic.version = 14 : i64} {
  func.func @_argmin_body(%arg0: i32, %arg1: memref<1024x32xf32, #tpu.memory_space<vmem>>, %arg2: memref<1x32x1024xf32, #tpu.memory_space<vmem>>, %arg3: memref<1x1x1024xi32, #tpu.memory_space<vmem>>, %arg4: memref<1x1x1xf32, #tpu.memory_space<vmem>>, %arg5: memref<1024x1xf32, #tpu.memory_space<vmem>>, %arg6: memref<1024x32xbf16, #tpu.memory_space<vmem>>) attributes {dimension_semantics = [#tpu.dimension_semantics<arbitrary>], iteration_bounds = array<i64: 8>, scalar_prefetch = 0 : i64, scratch_operands = 2 : i64, tpu.core_type = #tpu.core_type<tc>, window_params = [{pipeline_mode = #tpu.pipeline_mode<synchronous>, transform_indices = @transform_0, window_bounds = array<i64: 1024, 32>}, {transform_indices = @transform_1, window_bounds = array<i64: 1, 32, 1024>}, {transform_indices = @transform_2, window_bounds = array<i64: 1, 1, 1024>}, {transform_indices = @transform_3, window_bounds = array<i64: 1, 1, 1>}]} {
    %get3A = arith.constant 0 : index
    %get3A_0 = arith.constant 0 : index
    %get3A_1 = arith.constant 0 : index
    %get3A_2 = vector.load %arg2[%get3A, %get3A_0, %get3A_1] : memref<1x32x1024xf32, #tpu.memory_space<vmem>>, vector<1x32x1024xf32>
    %get3A_3 = vector.shape_cast %get3A_2 : vector<1x32x1024xf32> to vector<32x1024xf32>
    %eq3A = arith.constant 0 : i32
    %eq3A_4 = arith.cmpi eq, %arg0, %eq3A : i32
    %convert_element_type3A = arith.extui %eq3A_4 : i1 to i32
    %cond3A = arith.constant 0 : i32
    %cond3A_5 = arith.cmpi ne, %convert_element_type3A, %cond3A : i32
    scf.if %cond3A_5 {
      %get3A_43 = arith.constant 0 : index
      %get3A_44 = arith.constant 0 : index
      %get3A_45 = vector.load %arg1[%get3A_43, %get3A_44] : memref<1024x32xf32, #tpu.memory_space<vmem>>, vector<1024x32xf32>
      %mul3A_46 = arith.mulf %get3A_45, %get3A_45 : vector<1024x32xf32>
      %reduce_sum3A_47 = arith.constant dense<0.000000e+00> : vector<1024xf32>
      %reduce_sum3A_48 = vector.multi_reduction <add>, %mul3A_46, %reduce_sum3A_47 [1] : vector<1024x32xf32> to vector<1024xf32>
      %broadcast_in_dim3A_49 = vector.shape_cast %reduce_sum3A_48 : vector<1024xf32> to vector<1024x1xf32>
      %swap3A_50 = arith.constant 0 : index
      %swap3A_51 = arith.constant 0 : index
      %swap3A_52 = vector.load %arg5[%swap3A_50, %swap3A_51] : memref<1024x1xf32, #tpu.memory_space<vmem>>, vector<1024x1xf32>
      tpu.vector_store %arg5[%swap3A_50, %swap3A_51], %broadcast_in_dim3A_49 {strides = array<i32>} : memref<1024x1xf32, #tpu.memory_space<vmem>>, vector<1024x1xf32>,
      %mul3A_53 = arith.constant -2.000000e+00 : f32
      %mul3A_54 = vector.broadcast %mul3A_53 : f32 to vector<1024x32xf32>
      %mul3A_55 = arith.mulf %mul3A_54, %get3A_45 : vector<1024x32xf32>
      %convert_element_type3A_56 = arith.truncf %mul3A_55 : vector<1024x32xf32> to vector<1024x32xbf16>
      %swap3A_57 = arith.constant 0 : index
      %swap3A_58 = arith.constant 0 : index
      %swap3A_59 = vector.load %arg6[%swap3A_57, %swap3A_58] : memref<1024x32xbf16, #tpu.memory_space<vmem>>, vector<1024x32xbf16>
      tpu.vector_store %arg6[%swap3A_57, %swap3A_58], %convert_element_type3A_56 {strides = array<i32>} : memref<1024x32xbf16, #tpu.memory_space<vmem>>, vector<1024x32xbf16>,
    } else {
    }
    %get3A_6 = arith.constant 0 : index
    %get3A_7 = arith.constant 0 : index
    %get3A_8 = vector.load %arg5[%get3A_6, %get3A_7] : memref<1024x1xf32, #tpu.memory_space<vmem>>, vector<1024x1xf32>
    %mul3A = arith.mulf %get3A_3, %get3A_3 : vector<32x1024xf32>
    %reduce_sum3A = arith.constant dense<0.000000e+00> : vector<1024xf32>
    %reduce_sum3A_9 = vector.multi_reduction <add>, %mul3A, %reduce_sum3A [0] : vector<32x1024xf32> to vector<1024xf32>
    %broadcast_in_dim3A = vector.shape_cast %reduce_sum3A_9 : vector<1024xf32> to vector<1x1024xf32>
    %get3A_10 = arith.constant 0 : index
    %get3A_11 = arith.constant 0 : index
    %get3A_12 = vector.load %arg6[%get3A_10, %get3A_11] : memref<1024x32xbf16, #tpu.memory_space<vmem>>, vector<1024x32xbf16>
    %convert_element_type3A_13 = arith.truncf %get3A_3 : vector<32x1024xf32> to vector<32x1024xbf16>
    %dot_general3A = arith.constant dense<0.000000e+00> : vector<1024x1024xf32>
    %dot_general3A_14 = tpu.matmul %get3A_12, %convert_element_type3A_13, %dot_general3A {dimension_numbers = #tpu.dot_dimension_numbers<[1], [0], [0], [1], [0, 0, 1, 1], [], []>, transpose_lhs_hint = false} : vector<1024x32xbf16>, vector<32x1024xbf16>, vector<1024x1024xf32> -> vector<1024x1024xf32>
    %add3A = vector.broadcast %broadcast_in_dim3A : vector<1x1024xf32> to vector<1024x1024xf32>
    %add3A_15 = vector.broadcast %get3A_8 : vector<1024x1xf32> to vector<1024x1024xf32>
    %add3A_16 = arith.addf %add3A, %add3A_15 : vector<1024x1024xf32>
    %add3A_17 = arith.addf %add3A_16, %dot_general3A_14 : vector<1024x1024xf32>
    %reduce_min3A = arith.constant dense<0x7F800000> : vector<1024xf32>
    %reduce_min3A_18 = vector.multi_reduction <minimumf>, %add3A_17, %reduce_min3A [0] : vector<1024x1024xf32> to vector<1024xf32>
    %broadcast_in_dim3A_19 = vector.shape_cast %reduce_min3A_18 : vector<1024xf32> to vector<1x1024xf32>
    %iota3A = tpu.iota {dimensions = array<i32: 0>} : vector<1024x1024xi32>
    %add3A_20 = arith.constant 0 : i32
    %add3A_21 = vector.broadcast %add3A_20 : i32 to vector<1024x1024xi32>
    %add3A_22 = arith.addi %add3A_21, %iota3A : vector<1024x1024xi32>
    %eq3A_23 = vector.broadcast %broadcast_in_dim3A_19 : vector<1x1024xf32> to vector<1024x1024xf32>
    %eq3A_24 = arith.cmpf oeq, %add3A_17, %eq3A_23 : vector<1024x1024xf32>
    %jit3A = arith.constant 1024 : i32
    %broadcast_in_dim3A_25 = vector.broadcast %jit3A : i32 to vector<1024x1024xi32>
    %select_n3A = arith.select %eq3A_24, %add3A_22, %broadcast_in_dim3A_25 : vector<1024x1024xi1>, vector<1024x1024xi32>
    %reduce_min3A_26 = arith.constant dense<2147483647> : vector<1024xi32>
    %reduce_min3A_27 = vector.multi_reduction <minsi>, %select_n3A, %reduce_min3A_26 [0] : vector<1024x1024xi32> to vector<1024xi32>
    %broadcast_in_dim3A_28 = vector.shape_cast %reduce_min3A_27 : vector<1024xi32> to vector<1x1024xi32>
    %swap3A = arith.constant 0 : index
    %swap3A_29 = arith.constant 0 : index
    %swap3A_30 = arith.constant 0 : index
    %swap3A_31 = vector.load %arg3[%swap3A, %swap3A_29, %swap3A_30] : memref<1x1x1024xi32, #tpu.memory_space<vmem>>, vector<1x1x1024xi32>
    %swap3A_32 = vector.shape_cast %swap3A_31 : vector<1x1x1024xi32> to vector<1x1024xi32>
    %swap3A_33 = vector.shape_cast %broadcast_in_dim3A_28 : vector<1x1024xi32> to vector<1x1x1024xi32>
    tpu.vector_store %arg3[%swap3A, %swap3A_29, %swap3A_30], %swap3A_33 {strides = array<i32>} : memref<1x1x1024xi32, #tpu.memory_space<vmem>>, vector<1x1x1024xi32>,
    %reduce_sum3A_34 = arith.constant dense<0.000000e+00> : vector<1xf32>
    %reduce_sum3A_35 = vector.multi_reduction <add>, %broadcast_in_dim3A_19, %reduce_sum3A_34 [1] : vector<1x1024xf32> to vector<1xf32>
    %broadcast_in_dim3A_36 = vector.shape_cast %reduce_sum3A_35 : vector<1xf32> to vector<1x1xf32>
    %swap3A_37 = arith.constant 0 : index
    %swap3A_38 = arith.constant 0 : index
    %swap3A_39 = arith.constant 0 : index
    %swap3A_40 = vector.load %arg4[%swap3A_37, %swap3A_38, %swap3A_39] : memref<1x1x1xf32, #tpu.memory_space<vmem>>, vector<1x1x1xf32>
    %swap3A_41 = vector.shape_cast %swap3A_40 : vector<1x1x1xf32> to vector<1x1xf32>
    %swap3A_42 = vector.shape_cast %broadcast_in_dim3A_36 : vector<1x1xf32> to vector<1x1x1xf32>
    tpu.vector_store %arg4[%swap3A_37, %swap3A_38, %swap3A_39], %swap3A_42 {strides = array<i32>} : memref<1x1x1xf32, #tpu.memory_space<vmem>>, vector<1x1x1xf32>,
    return
  }
  func.func @transform_0(%arg0: i32) -> (i32, i32) {
    %c0_i32 = arith.constant 0 : i32
    %c0_i32_0 = arith.constant 0 : i32
    %c0_i32_1 = arith.constant 0 : i32
    return %c0_i32, %c0_i32_0 : i32, i32
  }
  func.func @transform_1(%arg0: i32) -> (i32, i32, i32) {
    %jit3A = arith.constant 1 : i32
    %div3A = arith.divsi %arg0, %jit3A : i32
    %sign3A = arith.constant 0 : i32
    %sign3A_0 = arith.cmpi sgt, %arg0, %sign3A : i32
    %sign3A_1 = arith.extui %sign3A_0 : i1 to i32
    %sign3A_2 = arith.constant 0 : i32
    %sign3A_3 = arith.cmpi slt, %arg0, %sign3A_2 : i32
    %sign3A_4 = arith.extui %sign3A_3 : i1 to i32
    %sign3A_5 = arith.subi %sign3A_1, %sign3A_4 : i32
    %sign3A_6 = arith.constant 0 : i32
    %sign3A_7 = arith.cmpi sgt, %jit3A, %sign3A_6 : i32
    %sign3A_8 = arith.extui %sign3A_7 : i1 to i32
    %sign3A_9 = arith.constant 0 : i32
    %sign3A_10 = arith.cmpi slt, %jit3A, %sign3A_9 : i32
    %sign3A_11 = arith.extui %sign3A_10 : i1 to i32
    %sign3A_12 = arith.subi %sign3A_8, %sign3A_11 : i32
    %ne3A = arith.cmpi ne, %sign3A_5, %sign3A_12 : i32
    %rem3A = arith.remsi %arg0, %jit3A : i32
    %ne3A_13 = arith.constant 0 : i32
    %ne3A_14 = arith.cmpi ne, %rem3A, %ne3A_13 : i32
    %and3A = arith.andi %ne3A, %ne3A_14 : i1
    %sub3A = arith.constant 1 : i32
    %sub3A_15 = arith.subi %div3A, %sub3A : i32
    %select_n3A = arith.select %and3A, %sub3A_15, %div3A : i32
    %jit3A_16 = arith.constant 1 : i32
    %eq3A = arith.constant 0 : i32
    %eq3A_17 = arith.cmpi eq, %jit3A_16, %eq3A : i32
    %jit3A_18 = arith.constant 1 : i32
    %select_n3A_19 = arith.select %eq3A_17, %jit3A_18, %jit3A_16 : i32
    %rem3A_20 = arith.remsi %arg0, %select_n3A_19 : i32
    %ne3A_21 = arith.constant 0 : i32
    %ne3A_22 = arith.cmpi ne, %rem3A_20, %ne3A_21 : i32
    %lt3A = arith.constant 0 : i32
    %lt3A_23 = arith.cmpi slt, %rem3A_20, %lt3A : i32
    %lt3A_24 = arith.constant 0 : i32
    %lt3A_25 = arith.cmpi slt, %select_n3A_19, %lt3A_24 : i32
    %ne3A_26 = arith.xori %lt3A_23, %lt3A_25 : i1
    %and3A_27 = arith.andi %ne3A_26, %ne3A_22 : i1
    %add3A = arith.addi %rem3A_20, %select_n3A_19 : i32
    %select_n3A_28 = arith.select %and3A_27, %add3A, %rem3A_20 : i32
    %c0_i32 = arith.constant 0 : i32
    %c0_i32_29 = arith.constant 0 : i32
    return %select_n3A, %c0_i32, %select_n3A_28 : i32, i32, i32
  }
  func.func @transform_2(%arg0: i32) -> (i32, i32, i32) {
    %c0_i32 = arith.constant 0 : i32
    %c0_i32_0 = arith.constant 0 : i32
    %c0_i32_1 = arith.constant 0 : i32
    return %arg0, %c0_i32, %c0_i32_0 : i32, i32, i32
  }
  func.func @transform_3(%arg0: i32) -> (i32, i32, i32) {
    %c0_i32 = arith.constant 0 : i32
    %c0_i32_0 = arith.constant 0 : i32
    %c0_i32_1 = arith.constant 0 : i32
    return %arg0, %c0_i32, %c0_i32_0 : i32, i32, i32
  }
}

module attributes {stable_mosaic.version = 14 : i64} {
  func.func @_argmin_body(%arg0: i32, %arg1: memref<512x32xf32, #tpu.memory_space<vmem>>, %arg2: memref<1x32x1024xf32, #tpu.memory_space<vmem>>, %arg3: memref<1x1x1024xi32, #tpu.memory_space<vmem>>, %arg4: memref<1x1x1xf32, #tpu.memory_space<vmem>>, %arg5: memref<512x1xf32, #tpu.memory_space<vmem>>, %arg6: memref<512x32xbf16, #tpu.memory_space<vmem>>) attributes {dimension_semantics = [#tpu.dimension_semantics<arbitrary>], iteration_bounds = array<i64: 8>, scalar_prefetch = 0 : i64, scratch_operands = 2 : i64, tpu.core_type = #tpu.core_type<tc>, window_params = [{pipeline_mode = #tpu.pipeline_mode<synchronous>, transform_indices = @transform_0, window_bounds = array<i64: 512, 32>}, {transform_indices = @transform_1, window_bounds = array<i64: 1, 32, 1024>}, {transform_indices = @transform_2, window_bounds = array<i64: 1, 1, 1024>}, {transform_indices = @transform_3, window_bounds = array<i64: 1, 1, 1>}]} {
    %get3A = arith.constant 0 : index
    %get3A_0 = arith.constant 0 : index
    %get3A_1 = arith.constant 0 : index
    %get3A_2 = vector.load %arg2[%get3A, %get3A_0, %get3A_1] : memref<1x32x1024xf32, #tpu.memory_space<vmem>>, vector<1x32x1024xf32>
    %get3A_3 = vector.shape_cast %get3A_2 : vector<1x32x1024xf32> to vector<32x1024xf32>
    %eq3A = arith.constant 0 : i32
    %eq3A_4 = arith.cmpi eq, %arg0, %eq3A : i32
    %convert_element_type3A = arith.extui %eq3A_4 : i1 to i32
    %cond3A = arith.constant 0 : i32
    %cond3A_5 = arith.cmpi ne, %convert_element_type3A, %cond3A : i32
    scf.if %cond3A_5 {
      %get3A_43 = arith.constant 0 : index
      %get3A_44 = arith.constant 0 : index
      %get3A_45 = vector.load %arg1[%get3A_43, %get3A_44] : memref<512x32xf32, #tpu.memory_space<vmem>>, vector<512x32xf32>
      %mul3A_46 = arith.mulf %get3A_45, %get3A_45 : vector<512x32xf32>
      %reduce_sum3A_47 = arith.constant dense<0.000000e+00> : vector<512xf32>
      %reduce_sum3A_48 = vector.multi_reduction <add>, %mul3A_46, %reduce_sum3A_47 [1] : vector<512x32xf32> to vector<512xf32>
      %broadcast_in_dim3A_49 = vector.shape_cast %reduce_sum3A_48 : vector<512xf32> to vector<512x1xf32>
      %swap3A_50 = arith.constant 0 : index
      %swap3A_51 = arith.constant 0 : index
      %swap3A_52 = vector.load %arg5[%swap3A_50, %swap3A_51] : memref<512x1xf32, #tpu.memory_space<vmem>>, vector<512x1xf32>
      tpu.vector_store %arg5[%swap3A_50, %swap3A_51], %broadcast_in_dim3A_49 {strides = array<i32>} : memref<512x1xf32, #tpu.memory_space<vmem>>, vector<512x1xf32>,
      %mul3A_53 = arith.constant -2.000000e+00 : f32
      %mul3A_54 = vector.broadcast %mul3A_53 : f32 to vector<512x32xf32>
      %mul3A_55 = arith.mulf %mul3A_54, %get3A_45 : vector<512x32xf32>
      %convert_element_type3A_56 = arith.truncf %mul3A_55 : vector<512x32xf32> to vector<512x32xbf16>
      %swap3A_57 = arith.constant 0 : index
      %swap3A_58 = arith.constant 0 : index
      %swap3A_59 = vector.load %arg6[%swap3A_57, %swap3A_58] : memref<512x32xbf16, #tpu.memory_space<vmem>>, vector<512x32xbf16>
      tpu.vector_store %arg6[%swap3A_57, %swap3A_58], %convert_element_type3A_56 {strides = array<i32>} : memref<512x32xbf16, #tpu.memory_space<vmem>>, vector<512x32xbf16>,
    } else {
    }
    %get3A_6 = arith.constant 0 : index
    %get3A_7 = arith.constant 0 : index
    %get3A_8 = vector.load %arg5[%get3A_6, %get3A_7] : memref<512x1xf32, #tpu.memory_space<vmem>>, vector<512x1xf32>
    %mul3A = arith.mulf %get3A_3, %get3A_3 : vector<32x1024xf32>
    %reduce_sum3A = arith.constant dense<0.000000e+00> : vector<1024xf32>
    %reduce_sum3A_9 = vector.multi_reduction <add>, %mul3A, %reduce_sum3A [0] : vector<32x1024xf32> to vector<1024xf32>
    %broadcast_in_dim3A = vector.shape_cast %reduce_sum3A_9 : vector<1024xf32> to vector<1x1024xf32>
    %get3A_10 = arith.constant 0 : index
    %get3A_11 = arith.constant 0 : index
    %get3A_12 = vector.load %arg6[%get3A_10, %get3A_11] : memref<512x32xbf16, #tpu.memory_space<vmem>>, vector<512x32xbf16>
    %convert_element_type3A_13 = arith.truncf %get3A_3 : vector<32x1024xf32> to vector<32x1024xbf16>
    %dot_general3A = arith.constant dense<0.000000e+00> : vector<512x1024xf32>
    %dot_general3A_14 = tpu.matmul %get3A_12, %convert_element_type3A_13, %dot_general3A {dimension_numbers = #tpu.dot_dimension_numbers<[1], [0], [0], [1], [0, 0, 1, 1], [], []>, transpose_lhs_hint = false} : vector<512x32xbf16>, vector<32x1024xbf16>, vector<512x1024xf32> -> vector<512x1024xf32>
    %add3A = vector.broadcast %broadcast_in_dim3A : vector<1x1024xf32> to vector<512x1024xf32>
    %add3A_15 = vector.broadcast %get3A_8 : vector<512x1xf32> to vector<512x1024xf32>
    %add3A_16 = arith.addf %add3A, %add3A_15 : vector<512x1024xf32>
    %add3A_17 = arith.addf %add3A_16, %dot_general3A_14 : vector<512x1024xf32>
    %reduce_min3A = arith.constant dense<0x7F800000> : vector<1024xf32>
    %reduce_min3A_18 = vector.multi_reduction <minimumf>, %add3A_17, %reduce_min3A [0] : vector<512x1024xf32> to vector<1024xf32>
    %broadcast_in_dim3A_19 = vector.shape_cast %reduce_min3A_18 : vector<1024xf32> to vector<1x1024xf32>
    %iota3A = tpu.iota {dimensions = array<i32: 0>} : vector<512x1024xi32>
    %add3A_20 = arith.constant 0 : i32
    %add3A_21 = vector.broadcast %add3A_20 : i32 to vector<512x1024xi32>
    %add3A_22 = arith.addi %add3A_21, %iota3A : vector<512x1024xi32>
    %eq3A_23 = vector.broadcast %broadcast_in_dim3A_19 : vector<1x1024xf32> to vector<512x1024xf32>
    %eq3A_24 = arith.cmpf oeq, %add3A_17, %eq3A_23 : vector<512x1024xf32>
    %jit3A = arith.constant 512 : i32
    %broadcast_in_dim3A_25 = vector.broadcast %jit3A : i32 to vector<512x1024xi32>
    %select_n3A = arith.select %eq3A_24, %add3A_22, %broadcast_in_dim3A_25 : vector<512x1024xi1>, vector<512x1024xi32>
    %reduce_min3A_26 = arith.constant dense<2147483647> : vector<1024xi32>
    %reduce_min3A_27 = vector.multi_reduction <minsi>, %select_n3A, %reduce_min3A_26 [0] : vector<512x1024xi32> to vector<1024xi32>
    %broadcast_in_dim3A_28 = vector.shape_cast %reduce_min3A_27 : vector<1024xi32> to vector<1x1024xi32>
    %swap3A = arith.constant 0 : index
    %swap3A_29 = arith.constant 0 : index
    %swap3A_30 = arith.constant 0 : index
    %swap3A_31 = vector.load %arg3[%swap3A, %swap3A_29, %swap3A_30] : memref<1x1x1024xi32, #tpu.memory_space<vmem>>, vector<1x1x1024xi32>
    %swap3A_32 = vector.shape_cast %swap3A_31 : vector<1x1x1024xi32> to vector<1x1024xi32>
    %swap3A_33 = vector.shape_cast %broadcast_in_dim3A_28 : vector<1x1024xi32> to vector<1x1x1024xi32>
    tpu.vector_store %arg3[%swap3A, %swap3A_29, %swap3A_30], %swap3A_33 {strides = array<i32>} : memref<1x1x1024xi32, #tpu.memory_space<vmem>>, vector<1x1x1024xi32>,
    %reduce_sum3A_34 = arith.constant dense<0.000000e+00> : vector<1xf32>
    %reduce_sum3A_35 = vector.multi_reduction <add>, %broadcast_in_dim3A_19, %reduce_sum3A_34 [1] : vector<1x1024xf32> to vector<1xf32>
    %broadcast_in_dim3A_36 = vector.shape_cast %reduce_sum3A_35 : vector<1xf32> to vector<1x1xf32>
    %swap3A_37 = arith.constant 0 : index
    %swap3A_38 = arith.constant 0 : index
    %swap3A_39 = arith.constant 0 : index
    %swap3A_40 = vector.load %arg4[%swap3A_37, %swap3A_38, %swap3A_39] : memref<1x1x1xf32, #tpu.memory_space<vmem>>, vector<1x1x1xf32>
    %swap3A_41 = vector.shape_cast %swap3A_40 : vector<1x1x1xf32> to vector<1x1xf32>
    %swap3A_42 = vector.shape_cast %broadcast_in_dim3A_36 : vector<1x1xf32> to vector<1x1x1xf32>
    tpu.vector_store %arg4[%swap3A_37, %swap3A_38, %swap3A_39], %swap3A_42 {strides = array<i32>} : memref<1x1x1xf32, #tpu.memory_space<vmem>>, vector<1x1x1xf32>,
    return
  }
  func.func @transform_0(%arg0: i32) -> (i32, i32) {
    %c0_i32 = arith.constant 0 : i32
    %c0_i32_0 = arith.constant 0 : i32
    %c0_i32_1 = arith.constant 0 : i32
    return %c0_i32, %c0_i32_0 : i32, i32
  }
  func.func @transform_1(%arg0: i32) -> (i32, i32, i32) {
    %jit3A = arith.constant 1 : i32
    %div3A = arith.divsi %arg0, %jit3A : i32
    %sign3A = arith.constant 0 : i32
    %sign3A_0 = arith.cmpi sgt, %arg0, %sign3A : i32
    %sign3A_1 = arith.extui %sign3A_0 : i1 to i32
    %sign3A_2 = arith.constant 0 : i32
    %sign3A_3 = arith.cmpi slt, %arg0, %sign3A_2 : i32
    %sign3A_4 = arith.extui %sign3A_3 : i1 to i32
    %sign3A_5 = arith.subi %sign3A_1, %sign3A_4 : i32
    %sign3A_6 = arith.constant 0 : i32
    %sign3A_7 = arith.cmpi sgt, %jit3A, %sign3A_6 : i32
    %sign3A_8 = arith.extui %sign3A_7 : i1 to i32
    %sign3A_9 = arith.constant 0 : i32
    %sign3A_10 = arith.cmpi slt, %jit3A, %sign3A_9 : i32
    %sign3A_11 = arith.extui %sign3A_10 : i1 to i32
    %sign3A_12 = arith.subi %sign3A_8, %sign3A_11 : i32
    %ne3A = arith.cmpi ne, %sign3A_5, %sign3A_12 : i32
    %rem3A = arith.remsi %arg0, %jit3A : i32
    %ne3A_13 = arith.constant 0 : i32
    %ne3A_14 = arith.cmpi ne, %rem3A, %ne3A_13 : i32
    %and3A = arith.andi %ne3A, %ne3A_14 : i1
    %sub3A = arith.constant 1 : i32
    %sub3A_15 = arith.subi %div3A, %sub3A : i32
    %select_n3A = arith.select %and3A, %sub3A_15, %div3A : i32
    %jit3A_16 = arith.constant 1 : i32
    %eq3A = arith.constant 0 : i32
    %eq3A_17 = arith.cmpi eq, %jit3A_16, %eq3A : i32
    %jit3A_18 = arith.constant 1 : i32
    %select_n3A_19 = arith.select %eq3A_17, %jit3A_18, %jit3A_16 : i32
    %rem3A_20 = arith.remsi %arg0, %select_n3A_19 : i32
    %ne3A_21 = arith.constant 0 : i32
    %ne3A_22 = arith.cmpi ne, %rem3A_20, %ne3A_21 : i32
    %lt3A = arith.constant 0 : i32
    %lt3A_23 = arith.cmpi slt, %rem3A_20, %lt3A : i32
    %lt3A_24 = arith.constant 0 : i32
    %lt3A_25 = arith.cmpi slt, %select_n3A_19, %lt3A_24 : i32
    %ne3A_26 = arith.xori %lt3A_23, %lt3A_25 : i1
    %and3A_27 = arith.andi %ne3A_26, %ne3A_22 : i1
    %add3A = arith.addi %rem3A_20, %select_n3A_19 : i32
    %select_n3A_28 = arith.select %and3A_27, %add3A, %rem3A_20 : i32
    %c0_i32 = arith.constant 0 : i32
    %c0_i32_29 = arith.constant 0 : i32
    return %select_n3A, %c0_i32, %select_n3A_28 : i32, i32, i32
  }
  func.func @transform_2(%arg0: i32) -> (i32, i32, i32) {
    %c0_i32 = arith.constant 0 : i32
    %c0_i32_0 = arith.constant 0 : i32
    %c0_i32_1 = arith.constant 0 : i32
    return %arg0, %c0_i32, %c0_i32_0 : i32, i32, i32
  }
  func.func @transform_3(%arg0: i32) -> (i32, i32, i32) {
    %c0_i32 = arith.constant 0 : i32
    %c0_i32_0 = arith.constant 0 : i32
    %c0_i32_1 = arith.constant 0 : i32
    return %arg0, %c0_i32, %c0_i32_0 : i32, i32, i32
  }
}

module attributes {stable_mosaic.version = 14 : i64} {
  func.func @_fin_body(%arg0: memref<2x8192xf32, #tpu.memory_space<vmem>>, %arg1: memref<2x1024xf32, #tpu.memory_space<vmem>>, %arg2: memref<2x512xf32, #tpu.memory_space<vmem>>, %arg3: memref<4x32xf32, #tpu.memory_space<vmem>>, %arg4: memref<2x4xf32, #tpu.memory_space<smem>>) attributes {dimension_semantics = [], scalar_prefetch = 0 : i64, scratch_operands = 0 : i64, tpu.core_type = #tpu.core_type<tc>} {
    %get3A = arith.constant 0 : index
    %get3A_0 = arith.constant 0 : index
    %get3A_1 = vector.load %arg0[%get3A, %get3A_0] : memref<2x8192xf32, #tpu.memory_space<vmem>>, vector<2x8192xf32>
    %reduce_sum3A = arith.constant dense<0.000000e+00> : vector<8192xf32>
    %reduce_sum3A_2 = vector.multi_reduction <add>, %get3A_1, %reduce_sum3A [0] : vector<2x8192xf32> to vector<8192xf32>
    %broadcast_in_dim3A = vector.shape_cast %reduce_sum3A_2 : vector<8192xf32> to vector<1x8192xf32>
    %mul3A = arith.constant 1.22070313E-4 : f32
    %mul3A_3 = vector.broadcast %mul3A : f32 to vector<1x8192xf32>
    %mul3A_4 = arith.mulf %broadcast_in_dim3A, %mul3A_3 : vector<1x8192xf32>
    %add3A = arith.constant 1.000000e-10 : f32
    %add3A_5 = vector.broadcast %add3A : f32 to vector<1x8192xf32>
    %add3A_6 = arith.addf %mul3A_4, %add3A_5 : vector<1x8192xf32>
    %log3A = math.log %add3A_6 : vector<1x8192xf32>
    %mul3A_7 = arith.mulf %mul3A_4, %log3A : vector<1x8192xf32>
    %reduce_sum3A_8 = vector.shape_cast %mul3A_7 : vector<1x8192xf32> to vector<1x1x8192xf32>
    %reduce_sum3A_9 = arith.constant dense<0.000000e+00> : vector<1xf32>
    %reduce_sum3A_10 = vector.multi_reduction <add>, %reduce_sum3A_8, %reduce_sum3A_9 [1, 2] : vector<1x1x8192xf32> to vector<1xf32>
    %reduce_sum3A_11 = vector.shape_cast %reduce_sum3A_10 : vector<1xf32> to vector<1x1x1xf32>
    %reduce_sum3A_12 = vector.extract %reduce_sum3A_11[0, 0, 0] : f32 from vector<1x1x1xf32>
    %neg3A = arith.constant 0.000000e+00 : f32
    %neg3A_13 = arith.subf %neg3A, %reduce_sum3A_12 : f32
    %exp3A = math.exp %neg3A_13 : f32
    %swap3A = arith.constant 1 : index
    %swap3A_14 = arith.constant 0 : index
    %swap3A_15 = memref.load %arg4[%swap3A, %swap3A_14] : memref<2x4xf32, #tpu.memory_space<smem>>
    memref.store %exp3A, %arg4[%swap3A, %swap3A_14] : memref<2x4xf32, #tpu.memory_space<smem>>
    %get3A_16 = arith.constant 0 : index
    %get3A_17 = arith.constant 0 : index
    %get3A_18 = vector.load %arg3[%get3A_16, %get3A_17] : memref<4x32xf32, #tpu.memory_space<vmem>>, vector<1x32xf32>
    %get3A_19 = vector.shape_cast %get3A_18 : vector<1x32xf32> to vector<32xf32>
    %reduce_sum3A_20 = vector.shape_cast %get3A_19 : vector<32xf32> to vector<1x32xf32>
    %reduce_sum3A_21 = arith.constant dense<0.000000e+00> : vector<1xf32>
    %reduce_sum3A_22 = vector.multi_reduction <add>, %reduce_sum3A_20, %reduce_sum3A_21 [1] : vector<1x32xf32> to vector<1xf32>
    %reduce_sum3A_23 = vector.shape_cast %reduce_sum3A_22 : vector<1xf32> to vector<1x1xf32>
    %reduce_sum3A_24 = vector.extract %reduce_sum3A_23[0, 0] : f32 from vector<1x1xf32>
    %mul3A_25 = arith.constant 3.81469727E-6 : f32
    %mul3A_26 = arith.mulf %reduce_sum3A_24, %mul3A_25 : f32
    %mul3A_27 = arith.constant 2.500000e-01 : f32
    %mul3A_28 = arith.mulf %mul3A_27, %mul3A_26 : f32
    %add3A_29 = arith.addf %mul3A_26, %mul3A_28 : f32
    %swap3A_30 = arith.constant 0 : index
    %swap3A_31 = arith.constant 0 : index
    %swap3A_32 = memref.load %arg4[%swap3A_30, %swap3A_31] : memref<2x4xf32, #tpu.memory_space<smem>>
    memref.store %add3A_29, %arg4[%swap3A_30, %swap3A_31] : memref<2x4xf32, #tpu.memory_space<smem>>
    %get3A_33 = arith.constant 0 : index
    %get3A_34 = arith.constant 0 : index
    %get3A_35 = vector.load %arg1[%get3A_33, %get3A_34] : memref<2x1024xf32, #tpu.memory_space<vmem>>, vector<2x1024xf32>
    %reduce_sum3A_36 = arith.constant dense<0.000000e+00> : vector<1024xf32>
    %reduce_sum3A_37 = vector.multi_reduction <add>, %get3A_35, %reduce_sum3A_36 [0] : vector<2x1024xf32> to vector<1024xf32>
    %broadcast_in_dim3A_38 = vector.shape_cast %reduce_sum3A_37 : vector<1024xf32> to vector<1x1024xf32>
    %mul3A_39 = arith.constant 1.22070313E-4 : f32
    %mul3A_40 = vector.broadcast %mul3A_39 : f32 to vector<1x1024xf32>
    %mul3A_41 = arith.mulf %broadcast_in_dim3A_38, %mul3A_40 : vector<1x1024xf32>
    %add3A_42 = arith.constant 1.000000e-10 : f32
    %add3A_43 = vector.broadcast %add3A_42 : f32 to vector<1x1024xf32>
    %add3A_44 = arith.addf %mul3A_41, %add3A_43 : vector<1x1024xf32>
    %log3A_45 = math.log %add3A_44 : vector<1x1024xf32>
    %mul3A_46 = arith.mulf %mul3A_41, %log3A_45 : vector<1x1024xf32>
    %reduce_sum3A_47 = vector.shape_cast %mul3A_46 : vector<1x1024xf32> to vector<1x1x1024xf32>
    %reduce_sum3A_48 = arith.constant dense<0.000000e+00> : vector<1xf32>
    %reduce_sum3A_49 = vector.multi_reduction <add>, %reduce_sum3A_47, %reduce_sum3A_48 [1, 2] : vector<1x1x1024xf32> to vector<1xf32>
    %reduce_sum3A_50 = vector.shape_cast %reduce_sum3A_49 : vector<1xf32> to vector<1x1x1xf32>
    %reduce_sum3A_51 = vector.extract %reduce_sum3A_50[0, 0, 0] : f32 from vector<1x1x1xf32>
    %neg3A_52 = arith.constant 0.000000e+00 : f32
    %neg3A_53 = arith.subf %neg3A_52, %reduce_sum3A_51 : f32
    %exp3A_54 = math.exp %neg3A_53 : f32
    %swap3A_55 = arith.constant 1 : index
    %swap3A_56 = arith.constant 1 : index
    %swap3A_57 = memref.load %arg4[%swap3A_55, %swap3A_56] : memref<2x4xf32, #tpu.memory_space<smem>>
    memref.store %exp3A_54, %arg4[%swap3A_55, %swap3A_56] : memref<2x4xf32, #tpu.memory_space<smem>>
    %get3A_58 = arith.constant 1 : index
    %get3A_59 = arith.constant 0 : index
    %get3A_60 = vector.load %arg3[%get3A_58, %get3A_59] : memref<4x32xf32, #tpu.memory_space<vmem>>, vector<1x32xf32>
    %get3A_61 = vector.shape_cast %get3A_60 : vector<1x32xf32> to vector<32xf32>
    %reduce_sum3A_62 = vector.shape_cast %get3A_61 : vector<32xf32> to vector<1x32xf32>
    %reduce_sum3A_63 = arith.constant dense<0.000000e+00> : vector<1xf32>
    %reduce_sum3A_64 = vector.multi_reduction <add>, %reduce_sum3A_62, %reduce_sum3A_63 [1] : vector<1x32xf32> to vector<1xf32>
    %reduce_sum3A_65 = vector.shape_cast %reduce_sum3A_64 : vector<1xf32> to vector<1x1xf32>
    %reduce_sum3A_66 = vector.extract %reduce_sum3A_65[0, 0] : f32 from vector<1x1xf32>
    %mul3A_67 = arith.constant 3.81469727E-6 : f32
    %mul3A_68 = arith.mulf %reduce_sum3A_66, %mul3A_67 : f32
    %mul3A_69 = arith.constant 2.500000e-01 : f32
    %mul3A_70 = arith.mulf %mul3A_69, %mul3A_68 : f32
    %add3A_71 = arith.addf %mul3A_68, %mul3A_70 : f32
    %swap3A_72 = arith.constant 0 : index
    %swap3A_73 = arith.constant 1 : index
    %swap3A_74 = memref.load %arg4[%swap3A_72, %swap3A_73] : memref<2x4xf32, #tpu.memory_space<smem>>
    memref.store %add3A_71, %arg4[%swap3A_72, %swap3A_73] : memref<2x4xf32, #tpu.memory_space<smem>>
    %get3A_75 = arith.constant 0 : index
    %get3A_76 = arith.constant 0 : index
    %get3A_77 = vector.load %arg2[%get3A_75, %get3A_76] : memref<2x512xf32, #tpu.memory_space<vmem>>, vector<2x512xf32>
    %reduce_sum3A_78 = arith.constant dense<0.000000e+00> : vector<512xf32>
    %reduce_sum3A_79 = vector.multi_reduction <add>, %get3A_77, %reduce_sum3A_78 [0] : vector<2x512xf32> to vector<512xf32>
    %broadcast_in_dim3A_80 = vector.shape_cast %reduce_sum3A_79 : vector<512xf32> to vector<1x512xf32>
    %mul3A_81 = arith.constant 1.22070313E-4 : f32
    %mul3A_82 = vector.broadcast %mul3A_81 : f32 to vector<1x512xf32>
    %mul3A_83 = arith.mulf %broadcast_in_dim3A_80, %mul3A_82 : vector<1x512xf32>
    %add3A_84 = arith.constant 1.000000e-10 : f32
    %add3A_85 = vector.broadcast %add3A_84 : f32 to vector<1x512xf32>
    %add3A_86 = arith.addf %mul3A_83, %add3A_85 : vector<1x512xf32>
    %log3A_87 = math.log %add3A_86 : vector<1x512xf32>
    %mul3A_88 = arith.mulf %mul3A_83, %log3A_87 : vector<1x512xf32>
    %reduce_sum3A_89 = vector.shape_cast %mul3A_88 : vector<1x512xf32> to vector<1x1x512xf32>
    %reduce_sum3A_90 = arith.constant dense<0.000000e+00> : vector<1xf32>
    %reduce_sum3A_91 = vector.multi_reduction <add>, %reduce_sum3A_89, %reduce_sum3A_90 [1, 2] : vector<1x1x512xf32> to vector<1xf32>
    %reduce_sum3A_92 = vector.shape_cast %reduce_sum3A_91 : vector<1xf32> to vector<1x1x1xf32>
    %reduce_sum3A_93 = vector.extract %reduce_sum3A_92[0, 0, 0] : f32 from vector<1x1x1xf32>
    %neg3A_94 = arith.constant 0.000000e+00 : f32
    %neg3A_95 = arith.subf %neg3A_94, %reduce_sum3A_93 : f32
    %exp3A_96 = math.exp %neg3A_95 : f32
    %swap3A_97 = arith.constant 1 : index
    %swap3A_98 = arith.constant 2 : index
    %swap3A_99 = memref.load %arg4[%swap3A_97, %swap3A_98] : memref<2x4xf32, #tpu.memory_space<smem>>
    memref.store %exp3A_96, %arg4[%swap3A_97, %swap3A_98] : memref<2x4xf32, #tpu.memory_space<smem>>
    %get3A_100 = arith.constant 2 : index
    %get3A_101 = arith.constant 0 : index
    %get3A_102 = vector.load %arg3[%get3A_100, %get3A_101] : memref<4x32xf32, #tpu.memory_space<vmem>>, vector<1x32xf32>
    %get3A_103 = vector.shape_cast %get3A_102 : vector<1x32xf32> to vector<32xf32>
    %reduce_sum3A_104 = vector.shape_cast %get3A_103 : vector<32xf32> to vector<1x32xf32>
    %reduce_sum3A_105 = arith.constant dense<0.000000e+00> : vector<1xf32>
    %reduce_sum3A_106 = vector.multi_reduction <add>, %reduce_sum3A_104, %reduce_sum3A_105 [1] : vector<1x32xf32> to vector<1xf32>
    %reduce_sum3A_107 = vector.shape_cast %reduce_sum3A_106 : vector<1xf32> to vector<1x1xf32>
    %reduce_sum3A_108 = vector.extract %reduce_sum3A_107[0, 0] : f32 from vector<1x1xf32>
    %mul3A_109 = arith.constant 3.81469727E-6 : f32
    %mul3A_110 = arith.mulf %reduce_sum3A_108, %mul3A_109 : f32
    %mul3A_111 = arith.constant 2.500000e-01 : f32
    %mul3A_112 = arith.mulf %mul3A_111, %mul3A_110 : f32
    %add3A_113 = arith.addf %mul3A_110, %mul3A_112 : f32
    %swap3A_114 = arith.constant 0 : index
    %swap3A_115 = arith.constant 2 : index
    %swap3A_116 = memref.load %arg4[%swap3A_114, %swap3A_115] : memref<2x4xf32, #tpu.memory_space<smem>>
    memref.store %add3A_113, %arg4[%swap3A_114, %swap3A_115] : memref<2x4xf32, #tpu.memory_space<smem>>
    return
  }
}

</mosaic_0001>

<sc_bundles>
// kernel: kernel.12.cloned.1.call-start
scs
__scs_entry_jumppad:
0x0: {  	(pc) =	sbr.rel $0x88, $3  }
0x1: {  	(tag) =	ssettag $0x0;
	lr =	simm.s32 $0x1  }
0x2: {  	[smem:$0x3F9D] =	sst lr;
	_ =	strace $0xD0000000  }
0x3: {  	_ = 	snop  }
0x4: {  	_ = 	snop  }
0x5: {  	_ = 	snop  }
0x6: {  	_ = 	snop  }
0x7: {  	_ = 	snop  }
__scs_overlays_trampoline_lowered:
0x8: {  	[smem:$0x3FAC] =	sst s0  }
0x9: {  	[smem:$0x3FAD] =	sst s1  }
0xa: {  	[smem:$0x3FAE] =	sst s2  }
0xb: {  	[smem:$0x3FAF] =	sst s3  }
0xc: {  	[smem:$0x3FB0] =	sst s4  }
0xd: {  	[smem:$0x3FB1] =	sst s5  }
0xe: {  	[smem:$0x3FB2] =	sst s6  }
0xf: {  	[smem:$0x3FB3] =	sst s7  }
0x10: {  	[smem:$0x3FB4] =	sst s8  }
0x11: {  	[smem:$0x3FB5] =	sst s9;
	s0 =	simm.s32 @!p0 $0x0  }
0x12: {  	s1 =	sld [smem:$0x3F9B];
	s0 =	simm.s32 @p0 $0x1  }
0x13: {  	[smem:$0x3FB6] =	sst s0;
	s0 =	simm.s32 @!p1 $0x0  }
0x14: {  	s2 =	sld [smem:$0x3F9A];
	s0 =	simm.s32 @p1 $0x1  }
0x15: {  	[smem:$0x3FB7] =	sst s0;
	s0 =	simm.s32 @!p2 $0x0  }
0x16: {  	s3 =	sld [smem:$0x3FDB];
	s0 =	simm.s32 @p2 $0x1  }
0x17: {  	s4 =	simm.s32 $0x1BF5;
	[smem:$0x3FB9] =	sst s0  }
0x18: {  	s0 =	sld [smem:$0x3F9C];
	_ =	swait.ge [sflag:s4], $0x0  }
0x19: {  	s7 =	sld [smem:$0x3F9D]  }
0x1a: {  	s8 =	sadd.s32 $0xFFFFE003, lr  }
0x1b: {  	s9 =	sadd.s32 $0xFFFFFEF7, lr;
	s5 =	simm.s32 $0xFFFFFFFF;
	p2 =	slt.u32 s8, $0xFFFFF086  }
0x1c: {  	p1 =	slt.u32 s9, $0xF7A;
	s5 =	simm.s32 @!p2 $0x0  }
0x1d: {  	s5 =	simm.s32 @p1 $0x1;
	p0 =	seq.s32 s7, s2  }
0x1e: {  	s7 =	smul.u32 @!p0 $0xF7A, s2;
	p2 =	seq.s32 @!p0 s5, $0x0  }
0x1f: {  	s9 =	smul.u32 $0xF7A, s1;
	s8 =	simm.s32 @!p0 $0x1BF5;
	p2 =	por !p2, p0  }
0x20: {  	[sflag:s8] =	ssyncset.s32 @!p0 $0xFFFFF086;
	s6 =	sadd.s32 @!p0 s3, s7;
	s7 =	simm.s32 @!p0 $0x108  }
0x21: {  	s3 =	sadd.s32 s3, s9;
	s6 =	sadd.s32 @!p0 $0x88, s6;
	s7 =	simm.s32 @p2 $0x1082  }
0x22: {  	[simem:s7], [sflag:s8] =	dma.local @!p0 [hbm:s6], $0xF7A  }
0x23: {  	s9 =	sor.u32 $0xD0000000, s2;
	s6 =	simm.s32 $0x108;
	_ =	swait.ge @!p0 [sflag:s8], $0x0  }
0x24: {  	s3 =	sadd.s32 $0x88, s3;
	s6 =	simm.s32 @!p1 $0x1082;
	[sflag:s4] =	ssyncset.s32 $0xFFFFF086  }
0x25: {  	[simem:s6], [sflag:s4] =	dma.local [hbm:s3], $0xF7A  }
0x26: {  	[smem:$0x3F9D] =	sst s1;
	(tag) =	ssettag s2;
	_ =	strace s9  }
0x27: {  	s1 =	sld [smem:$0x3FAD]  }
0x28: {  	s2 =	sld [smem:$0x3FAE]  }
0x29: {  	s4 =	sld [smem:$0x3FB0]  }
0x2a: {  	p0 =	seq.s32 s5, $0x0;
	s5 =	sld [smem:$0x3FB1]  }
0x2b: {  	s6 =	sld [smem:$0x3FB2]  }
0x2c: {  	s7 =	sld [smem:$0x3FB3]  }
0x2d: {  	s3 =	simm.s32 $0x108;
	s8 =	sld [smem:$0x3FB4]  }
0x2e: {  	s3 =	simm.s32 @!p0 $0x1082;
	s9 =	sld [smem:$0x3FB5]  }
0x2f: {  	lr =	sadd.s32 s0, s3;
	s0 =	sld [smem:$0x3FAC]  }
0x30: {  	s3 =	sld [smem:$0x3FAF]  }
0x31: {  	[smem:$0x3FB8] =	sst s10  }
0x32: {  	s10 =	sld [smem:$0x3FB6];
	_ =	sdelay $0x3  }
0x33: {  	p0 =	seq.s32 s10, $0x1;
	s10 =	sld [smem:$0x3FB8];
	_ =	sdelay $0x3  }
0x34: {  	[smem:$0x3FB8] =	sst s10  }
0x35: {  	s10 =	sld [smem:$0x3FB7];
	_ =	sdelay $0x3  }
0x36: {  	p1 =	seq.s32 s10, $0x1;
	s10 =	sld [smem:$0x3FB8];
	_ =	sdelay $0x3  }
0x37: {  	[smem:$0x3FB8] =	sst s10  }
0x38: {  	s10 =	sld [smem:$0x3FB9]  }
0x39: {  	_ = 	snop;
	(pc) =	sbr.ind lr, $3  }
0x3a: {  	_ = 	snop  }
0x3b: {  	_ = 	snop  }
0x3c: {  	p2 =	seq.s32 s10, $0x1;
	s10 =	sld [smem:$0x3FB8]  }
0x3d: {  	_ =	shalt  }
0x3e: {  	_ =	shalt  }
0x3f: {  	_ =	shalt  }
0x40: {  	_ =	shalt  }
0x41: {  	_ =	shalt  }
0x42: {  	_ =	shalt  }
0x43: {  	_ =	shalt  }
0x44: {  	_ =	shalt  }
0x45: {  	_ =	shalt  }
0x46: {  	_ =	shalt  }
0x47: {  	_ =	shalt  }
0x48: {  	_ =	shalt  }
0x49: {  	_ =	shalt  }
0x4a: {  	_ =	shalt  }
0x4b: {  	_ =	shalt  }
0x4c: {  	_ =	shalt  }
0x4d: {  	_ =	shalt  }
0x4e: {  	_ =	shalt  }
0x4f: {  	_ =	shalt  }
0x50: {  	_ =	shalt  }
0x51: {  	_ =	shalt  }
0x52: {  	_ =	shalt  }
0x53: {  	_ =	shalt  }
0x54: {  	_ =	shalt  }
0x55: {  	_ =	shalt  }
0x56: {  	_ =	shalt  }
0x57: {  	_ =	shalt  }
0x58: {  	_ =	shalt  }
0x59: {  	_ =	shalt  }
0x5a: {  	_ =	shalt  }
0x5b: {  	_ =	shalt  }
0x5c: {  	_ =	shalt  }
0x5d: {  	_ =	shalt  }
0x5e: {  	_ =	shalt  }
0x5f: {  	_ =	shalt  }
0x60: {  	_ =	shalt  }
0x61: {  	_ =	shalt  }
0x62: {  	_ =	shalt  }
0x63: {  	_ =	shalt  }
0x64: {  	_ =	shalt  }
0x65: {  	_ =	shalt  }
0x66: {  	_ =	shalt  }
0x67: {  	_ =	shalt  }
0x68: {  	_ =	shalt  }
0x69: {  	_ =	shalt  }
0x6a: {  	_ =	shalt  }
0x6b: {  	_ =	shalt  }
0x6c: {  	_ =	shalt  }
0x6d: {  	_ =	shalt  }
0x6e: {  	_ =	shalt  }
0x6f: {  	_ =	shalt  }
0x70: {  	_ =	shalt  }
0x71: {  	_ =	shalt  }
0x72: {  	_ =	shalt  }
0x73: {  	_ =	shalt  }
0x74: {  	_ =	shalt  }
0x75: {  	_ =	shalt  }
0x76: {  	_ =	shalt  }
0x77: {  	_ =	shalt  }
0x78: {  	_ =	shalt  }
0x79: {  	_ =	shalt  }
0x7a: {  	_ =	shalt  }
0x7b: {  	_ =	shalt  }
0x7c: {  	_ =	shalt  }
0x7d: {  	_ =	shalt  }
0x7e: {  	_ =	shalt  }
0x7f: {  	_ =	shalt  }
0x80: {  	_ =	shalt  }
0x81: {  	_ =	shalt  }
0x82: {  	_ =	shalt  }
0x83: {  	_ =	shalt  }
0x84: {  	_ =	shalt  }
0x85: {  	_ =	shalt  }
0x86: {  	_ =	shalt  }
0x87: {  	_ =	shalt  }
.Lfunc_end0:
.L_simem_size_0:
called_computation.1_lowered:
.L_overlay_start_0:
0x88: {  	s2 =	sld [smem:$0x3FD9]  }
0x89: {  	s3 =	sld [smem:$0x3FFE];
	_ =	sdelay $0x1  }
0x8a: {  	s1 =	srdreg.scid  }
0x8b: {  	s0 =	sand.u32 $0x1, s1  }
0x8c: {  	s17 =	sshll.u32 s0, $0xA;
	s2 =	sadd.s32 s3, s2  }
0x8d: {  	s2 =	sadd.s32 s2, s17  }
0x8e: {  	[smem:$0x3FC4] =	sst s2  }
0x8f: {  	_ = 	snop  }
0x90: {  	(tm) =	ssettm $0x1  }
0x91: {  	s18 =	sld [smem:$0x3FFB];
	_ =	sdelay $0x3  }
0x92: {  	_ =	strace s18  }
0x93: {  	s2 =	sld [smem:$0x3FFC];
	_ =	sdelay $0x3  }
0x94: {  	_ =	strace s2  }
0x95: {  	s2 =	sld [smem:$0x3FFD];
	_ =	sdelay $0x3  }
0x96: {  	_ =	strace s2  }
0x97: {  	_ =	strace $0x8FFFFFFF  }
0x98: {  	s19 =	sld [smem:$0x3FDB];
	_ =	sdelay $0x1  }
0x99: {  	s20 =	simm.s32 $_scs_section_size  }
0x9a: {  	s4 =	simm.s32 $_size__tile_overlayer_lowered;
	s5 =	simm.s32 $_tile_overlayer_lowered  }
0x9b: {  	s6 =	simm.s32 $0x1BFF;
	s21 =	sshll.u32 s5, $0x1;
	s3 =	sadd.s32 s20, s19  }
0x9c: {  	s22 =	simm.s32 $0x0;
	s4 =	sshll.u32 s4, $0x1;
	s5 =	sadd.s32 s21, s3  }
0x9d: {  	[timem:s22], [sflag:s6] =	dma.local [hbm:s5], s4  }
0x9e: {  	_ =	swait.ge [sflag:s6], s4  }
0x9f: {  	s4 =	ssub.s32 $0x0, s4;
	[sflag:s6] =	ssyncset.done $0x0  }
0xa0: {  	[sflag:s6] =	ssyncadd.s32 s4;
	_ =	sdelay $0x1  }
0xa1: {  	s23 =	simm.s32 $0x1B8B  }
0xa2: {  	_ =	swait.ge [sflag:s23], $0x1  }
0xa3: {  	[sflag:s23] =	ssyncset.done $0x0  }
0xa4: {  	[sflag:s23] =	ssyncadd.s32 $0xFFFFFFFF  }
0xa5: {  	s4 =	sld [smem:$0x0]  }
0xa6: {  	s5 =	sand.u32 $0xFFFFFFFE, s1  }
0xa7: {  	p0 =	sne.s32 s1, s5  }
0xa8: {  	s5 =	sshll.u32 @p0 s5, $0xE  }
0xa9: {  	s5 =	sadd.s32 @p0 $0x11B8D, s5;
	s6 =	sshll.u32 @p0 s4, $0x11  }
0xaa: {  	s5 =	sor.u32 @p0 s6, s5  }
0xab: {  	[sflag:s5] =	ssyncadd.remote.s32 @p0 $0x1;
	_ =	sdelay $0x1  }
0xac: {  	s5 =	simm.s32 @p0 $0x1B8D  }
0xad: {  	_ =	swait.eq @p0 [sflag:s5], $0x1  }
0xae: {  	[sflag:s5] =	ssyncadd.s32 @p0 $0xFFFFFFFF  }
0xaf: {  	s6 =	sshll.u32 @!p0 s1, $0xE  }
0xb0: {  	s6 =	sor.u32 @!p0 $0x4000, s6;
	s5 =	simm.s32 @!p0 $0x1B8D  }
0xb1: {  	s4 =	sshll.u32 @!p0 s4, $0x11;
	s6 =	sadd.s32 @!p0 $0x11B8D, s6;
	_ =	swait.eq @!p0 [sflag:s5], $0x1  }
0xb2: {  	s4 =	sor.u32 @!p0 s4, s6;
	[sflag:s5] =	ssyncadd.s32 @!p0 $0xFFFFFFFF  }
0xb3: {  	s25 =	simm.s32 $0x1B8E;
	s24 =	sld [smem:$0x3FFE];
	[sflag:s4] =	ssyncadd.remote.s32 @!p0 $0x1  }
0xb4: {  	s26 =	simm.s32 $execute0_lowered;
	[smem:$0x3FD2] =	sst s25  }
0xb5: {  	s5 =	sshll.u32 s26, $0x1;
	_ =	strace $0x8000004C;
	[dreg:$0x1] =	wrdreg $0xFFFFFFFF  }
0xb6: {  	s28 =	simm.s32 $_size_execute0_lowered;
	s3 =	sadd.s32 s3, s5;
	[dreg:$0x0] =	wrdreg $0x0  }
0xb7: {  	s5 =	sshll.u32 s28, $0x1;
	[dreg:$0x2] =	wrdreg s3  }
0xb8: {  	[dreg:$0x3] =	wrdreg s5  }
0xb9: {  	[dreg:$0x4] =	wrdreg $0xC0  }
0xba: {  	_ =	task [dreg:s22], $0x5FFFF  }
0xbb: {  	[dreg:$0x1] =	wrdreg $0xFFFFFFFF  }
0xbc: {  	[dreg:$0x0] =	wrdreg $0x60  }
0xbd: {  	[dreg:$0x2] =	wrdreg s24  }
0xbe: {  	[dreg:$0x3] =	wrdreg $0x23800  }
0xbf: {  	[dreg:$0x4] =	wrdreg $0xA  }
0xc0: {  	_ =	task.clear_ibuf [dreg:s22], $0x5FFFF;
	_ =	strace $0x9000004C  }
0xc1: {  	s29 =	simm.s32 $0xA;
	_ =	strace $0x8000004E  }
0xc2: {  	_ =	swait.ge [sflag:s29], $0x1  }
0xc3: {  	[sflag:s29] =	ssyncadd.s32 $0xFFFFFFFF  }
0xc4: {  	_ =	strace $0x9000004E  }
0xc5: {  	_ =	sfence  }
0xc6: {  	s30 =	sld [smem:$0x0];
	_ =	sdelay $0x2  }
0xc7: {  	s31 =	sshll.u32 s1, $0xD;
	s1 =	sshrl.u32 s1, $0x2  }
0xc8: {  	s4 =	sand.u32 $0x4000, s31;
	s1 =	sadd.s32 s1, s30  }
0xc9: {  	s0 =	sor.u32 s4, s0;
	s1 =	sshll.u32 s1, $0x11  }
0xca: {  	s0 =	sor.u32 s1, s0  }
0xcb: {  	s0 =	sadd.s32 $0x8F2B, s0  }
0xcc: {  	[sflag:s0] =	ssyncadd.remote.s32 $0x1  }
0xcd: {  	_ =	sfence.sel $0xFFFF  }
0xce: {  	[dreg:$0x0] =	wrdreg $0xFFFFFFFF;
	(pc) =	sbr.abs _section_cstart, $3  }
0xcf: {  	[dreg:$0x1] =	wrdreg $0xFFFFFFFF  }
0xd0: {  	_ =	task.clear_ibuf [dreg:s22], $0x2FFFF;
	_ =	strace $0x9FFFFFFF  }
0xd1: {  	(tm) =	ssettm $0x7FFFFFFF  }
tec
execute0_lowered:
.L_overlay_start_1:
0x0: {  	(tag) =	ssettag $0x1  }
0x1: {  	s14 =	rddreg [dreg:$0x0]  }
0x2: {  	s1 =	rddreg [dreg:$0x1];
	s2 =	simm.s32 $0x0  }
0x3: {  	v0 =	vimm.f32 $0.0e+00;
	[smem:$0x7FF] =	sst s2  }
0x4: {  	s0 =	rddreg [dreg:$0x2];
	_ =	strace $0x8000004D;
	[tilespmem:$0x2120] =	vst v0  }
0x5: {  	[tilespmem:$0x2130] =	vst v0  }
0x6: {  	[tilespmem:$0x2140] =	vst v0  }
0x7: {  	[tilespmem:$0x2150] =	vst v0  }
0x8: {  	[tilespmem:$0x2160] =	vst v0  }
0x9: {  	[tilespmem:$0x2170] =	vst v0  }
0xa: {  	[tilespmem:$0x2180] =	vst v0  }
0xb: {  	[tilespmem:$0x2190] =	vst v0  }
0xc: {  	[tilespmem:$0x21A0] =	vst v0  }
0xd: {  	[tilespmem:$0x21B0] =	vst v0  }
0xe: {  	[tilespmem:$0x21C0] =	vst v0  }
0xf: {  	[tilespmem:$0x21D0] =	vst v0  }
0x10: {  	[tilespmem:$0x21E0] =	vst v0  }
0x11: {  	[tilespmem:$0x21F0] =	vst v0  }
0x12: {  	[tilespmem:$0x2200] =	vst v0  }
0x13: {  	[tilespmem:$0x2210] =	vst v0  }
0x14: {  	[tilespmem:$0x2220] =	vst v0  }
0x15: {  	[tilespmem:$0x2230] =	vst v0  }
0x16: {  	[tilespmem:$0x2240] =	vst v0  }
0x17: {  	v1 =	vimm.f32 $1.000000000e+00;
	[tilespmem:$0x2100] =	vst v0  }
0x18: {  	[tilespmem:$0x2370] =	vst v1  }
0x19: {  	[tilespmem:$0x2360] =	vst v1  }
0x1a: {  	[tilespmem:$0x2350] =	vst v1  }
0x1b: {  	[tilespmem:$0x2340] =	vst v1  }
0x1c: {  	[tilespmem:$0x2330] =	vst v1  }
0x1d: {  	[tilespmem:$0x2320] =	vst v1  }
0x1e: {  	[tilespmem:$0x2310] =	vst v1  }
0x1f: {  	[tilespmem:$0x2300] =	vst v1  }
0x20: {  	[tilespmem:$0x22F0] =	vst v0  }
0x21: {  	[tilespmem:$0x22E0] =	vst v0  }
0x22: {  	[tilespmem:$0x22D0] =	vst v0  }
0x23: {  	[tilespmem:$0x22C0] =	vst v0  }
0x24: {  	[tilespmem:$0x22B0] =	vst v0  }
0x25: {  	[tilespmem:$0x22A0] =	vst v0  }
0x26: {  	[tilespmem:$0x2290] =	vst v0  }
0x27: {  	[tilespmem:$0x2280] =	vst v0  }
0x28: {  	[tilespmem:$0x2270] =	vst v0  }
0x29: {  	s3 =	srdreg.scid;
	s5 =	stileid.u32;
	[tilespmem:$0x2260] =	vst v0  }
0x2a: {  	s13 =	sand.u32 $0x1, s3;
	p0 =	sne.s32 s5, $0x0;
	[tilespmem:$0x2250] =	vst v0  }
0x2b: {  	s6 =	sshll.u32 s13, $0x4;
	[tilespmem:$0x2110] =	vst v0;
	s4 =	simm.s32 @!p0 $0x2100;
	s3 =	simm.s32 @!p0 $0x2  }
0x2c: {  	[spmem:s1] =	stream.linear.scatter @!p0 [tilespmem:s4], [sflag:$0x2], $0x200, $0x38;
	[tilespmem:$0x23A0] =	vst v63  }
0x2d: {  	s15 =	sor.u32 s5, s6;
	_ =	swait.ge @!p0 [sflag:s3], $0x200  }
0x2e: {  	s5 =	sshll.u32 s15, $0x5;
	[sflag:s3] =	ssyncset.done @!p0 $0x0  }
0x2f: {  	s5 =	sadd.s32 s5, s14;
	[sflag:s3] =	ssyncadd.s32 @!p0 $0xFFFFFE00  }
0x30: {  	s6 =	simm.s32 $0x2;
	s5 =	sadd.s32 $0x14000, s5;
	[bflag:$0x0] =	sbarrier.arrive $0xFFFF  }
0x31: {  	[tilespmem:s2], [sflag:$0x2] =	stream.linear.gather [hbm4b:s5+s2], $0x100, $0x38;
	[tilespmem:$0x23A0] =	vst v63  }
0x32: {  	_ =	swait.ge [sflag:s6], $0x100  }
0x33: {  	s8 =	simm.s32 $0x80;
	s9 =	simm.s32 $0x100;
	[sflag:s6] =	ssyncset.done $0x0  }
0x34: {  	s10 =	simm.s32 $0x1;
	s7 =	sadd.s32 $0x13800, s14;
	[sflag:s6] =	ssyncadd.s32 $0xFFFFFF00  }
0x35: {  	[tilespmem:s9], [sflag:$0x1] =	stream.indirect.gather [hbm4b:s7+s8], $0x20, s2, s8, $0xb8;
	[tilespmem:$0x23A0] =	vst v63  }
0x36: {  	_ =	swait.ge [sflag:s10], $0x1000  }
0x37: {  	[sflag:s10] =	ssyncset.done $0x0  }
0x38: {  	s11 =	simm.s32 $0x2300;
	[sflag:s10] =	ssyncadd.s32 $0xFFFFF000  }
0x39: {  	[spmem:s1] =	stream.indirect.scatter.add.f32 [tilespmem:s11], [sflag:$0x2], $0x1, s2, s8, $0xb8;
	[tilespmem:$0x23A0] =	vst v63  }
0x3a: {  	_ =	swait.ge [sflag:s6], $0x80  }
0x3b: {  	[sflag:s6] =	ssyncset.done $0x0  }
0x3c: {  	s12 =	simm.s32 $0x1100;
	[sflag:s6] =	ssyncadd.s32 $0xFFFFFF80  }
0x3d: {  	[tilespmem:s12], [sflag:$0x1] =	stream.indirect.gather [hbm4b:s7+s8], $0x20, s8, s8, $0xb8;
	[tilespmem:$0x23A0] =	vst v63  }
0x3e: {  	_ =	swait.ge [sflag:s10], $0x1000  }
0x3f: {  	s16 =	sshll.u32 s13, $0x6;
	[sflag:s10] =	ssyncset.done $0x0  }
0x40: {  	s17 =	ssub.s32 $0x2, s13;
	s15 =	sshll.u32 s15, $0xA;
	[sflag:s10] =	ssyncadd.s32 $0xFFFFF000  }
0x41: {  	[spmem:s1] =	stream.indirect.scatter.add.f32 [tilespmem:s11], [sflag:$0x2], $0x1, s8, s8, $0xb8;
	[tilespmem:$0x23A0] =	vst v63  }
0x42: {  	s30 =	sshrl.u32 s17, $0x1;
	s15 =	sadd.s32 s15, s14;
	_ =	swait.ge [sflag:s6], $0x80  }
0x43: {  	s13 =	sadd.s32 $0x14600, s15;
	s15 =	ssub.s32 s17, s30;
	[sflag:s6] =	ssyncset.done $0x0  }
0x44: {  	s31 =	smax.u32 s15, $0x1;
	[sflag:s6] =	ssyncadd.s32 $0xFFFFFF80  }
0x45: {  	[hbm4b:s13+s2] =	stream.linear.scatter [tilespmem:s9], [sflag:$0x2], $0x2000, $0x38;
	[tilespmem:$0x23A0] =	vst v63  }
0x46: {  	s14 =	sadd.s32 s16, s14;
	s16 =	sadd.s32 $0xFFFFFFFF, s31;
	_ =	swait.ge [sflag:s6], $0x2000  }
0x47: {  	p1 =	sne.s32 s16, $0x0;
	[sflag:s6] =	ssyncset.done $0x0  }
.Ltmp0:
0x48: {  	s14 =	sadd.s32 $0x14400, s14;
	[sflag:s6] =	ssyncadd.s32 $0xFFFFE000;
	(pc) =	sbr.rel @!p1 .LBB2_2-.Ltmp0, $4  }
0x49: {  	s17 =	simm.s32 @!p0 $0x1C02;
	s15 =	sshrl.u32 @!p0 s1, $0x3;
	[bflag:$0x0] =	sbarrier.arrive $0xFFFF  }
0x4a: {  	[hbm:s14], [sflag:s17] =	dma.local @!p0 [spmem:s15], $0x40  }
0x4b: {  	_ =	swait.ge @!p0 [sflag:s3], $0x40  }
0x4c: {  	[sflag:s3] =	ssyncset.done @!p0 $0x0  }
.LBB2_1:
0x4d: {  	s16 =	sadd.s32 $0xFFFFFFFF, s16;
	[sflag:s3] =	ssyncadd.s32 @!p0 $0xFFFFFFC0  }
0x4e: {  	[tilespmem:$0x2120] =	vst v0;
	p1 =	sne.s32 s16, $0x0  }
0x4f: {  	[tilespmem:$0x2130] =	vst v0  }
0x50: {  	[tilespmem:$0x2140] =	vst v0  }
0x51: {  	[tilespmem:$0x2150] =	vst v0  }
0x52: {  	[tilespmem:$0x2160] =	vst v0  }
0x53: {  	[tilespmem:$0x2170] =	vst v0  }
0x54: {  	[tilespmem:$0x2180] =	vst v0  }
0x55: {  	[tilespmem:$0x2190] =	vst v0  }
0x56: {  	[tilespmem:$0x21A0] =	vst v0  }
0x57: {  	[tilespmem:$0x21B0] =	vst v0  }
0x58: {  	[tilespmem:$0x21C0] =	vst v0  }
0x59: {  	[tilespmem:$0x21D0] =	vst v0  }
0x5a: {  	[tilespmem:$0x21E0] =	vst v0  }
0x5b: {  	[tilespmem:$0x21F0] =	vst v0  }
0x5c: {  	[tilespmem:$0x2200] =	vst v0  }
0x5d: {  	[tilespmem:$0x2210] =	vst v0  }
0x5e: {  	[tilespmem:$0x2220] =	vst v0  }
0x5f: {  	[tilespmem:$0x2230] =	vst v0  }
0x60: {  	[tilespmem:$0x2240] =	vst v0  }
0x61: {  	[tilespmem:$0x2100] =	vst v0  }
0x62: {  	[tilespmem:$0x2370] =	vst v1  }
0x63: {  	[tilespmem:$0x2360] =	vst v1  }
0x64: {  	[tilespmem:$0x2350] =	vst v1  }
0x65: {  	[tilespmem:$0x2340] =	vst v1  }
0x66: {  	[tilespmem:$0x2330] =	vst v1  }
0x67: {  	[tilespmem:$0x2320] =	vst v1  }
0x68: {  	[tilespmem:$0x2310] =	vst v1  }
0x69: {  	[tilespmem:$0x2300] =	vst v1  }
0x6a: {  	[tilespmem:$0x22F0] =	vst v0  }
0x6b: {  	[tilespmem:$0x22E0] =	vst v0  }
0x6c: {  	[tilespmem:$0x22D0] =	vst v0  }
0x6d: {  	[tilespmem:$0x22C0] =	vst v0  }
0x6e: {  	[tilespmem:$0x22B0] =	vst v0  }
0x6f: {  	[tilespmem:$0x22A0] =	vst v0  }
0x70: {  	[tilespmem:$0x2290] =	vst v0  }
0x71: {  	[tilespmem:$0x2280] =	vst v0  }
0x72: {  	[tilespmem:$0x2270] =	vst v0  }
0x73: {  	[tilespmem:$0x2260] =	vst v0  }
0x74: {  	[tilespmem:$0x2250] =	vst v0  }
0x75: {  	[tilespmem:$0x2110] =	vst v0  }
0x76: {  	[spmem:s1] =	stream.linear.scatter @!p0 [tilespmem:s4], [sflag:$0x2], $0x200, $0x38;
	[tilespmem:$0x23A0] =	vst v63  }
0x77: {  	_ =	swait.ge @!p0 [sflag:s3], $0x200  }
0x78: {  	[sflag:s3] =	ssyncset.done @!p0 $0x0  }
0x79: {  	[sflag:s3] =	ssyncadd.s32 @!p0 $0xFFFFFE00  }
0x7a: {  	[bflag:$0x0] =	sbarrier.arrive $0xFFFF  }
0x7b: {  	[tilespmem:s2], [sflag:$0x2] =	stream.linear.gather [hbm4b:s5+s2], $0x100, $0x38;
	[tilespmem:$0x23A0] =	vst v63  }
0x7c: {  	_ =	swait.ge [sflag:s6], $0x100  }
0x7d: {  	[sflag:s6] =	ssyncset.done $0x0  }
0x7e: {  	[sflag:s6] =	ssyncadd.s32 $0xFFFFFF00  }
0x7f: {  	[tilespmem:s9], [sflag:$0x1] =	stream.indirect.gather [hbm4b:s7+s8], $0x20, s2, s8, $0xb8;
	[tilespmem:$0x23A0] =	vst v63  }
0x80: {  	_ =	swait.ge [sflag:s10], $0x1000  }
0x81: {  	[sflag:s10] =	ssyncset.done $0x0  }
0x82: {  	[sflag:s10] =	ssyncadd.s32 $0xFFFFF000  }
0x83: {  	[spmem:s1] =	stream.indirect.scatter.add.f32 [tilespmem:s11], [sflag:$0x2], $0x1, s2, s8, $0xb8;
	[tilespmem:$0x23A0] =	vst v63  }
0x84: {  	_ =	swait.ge [sflag:s6], $0x80  }
0x85: {  	[sflag:s6] =	ssyncset.done $0x0  }
0x86: {  	[sflag:s6] =	ssyncadd.s32 $0xFFFFFF80  }
0x87: {  	[tilespmem:s12], [sflag:$0x1] =	stream.indirect.gather [hbm4b:s7+s8], $0x20, s8, s8, $0xb8;
	[tilespmem:$0x23A0] =	vst v63  }
0x88: {  	_ =	swait.ge [sflag:s10], $0x1000  }
0x89: {  	[sflag:s10] =	ssyncset.done $0x0  }
0x8a: {  	[sflag:s10] =	ssyncadd.s32 $0xFFFFF000  }
0x8b: {  	[spmem:s1] =	stream.indirect.scatter.add.f32 [tilespmem:s11], [sflag:$0x2], $0x1, s8, s8, $0xb8;
	[tilespmem:$0x23A0] =	vst v63  }
0x8c: {  	_ =	swait.ge [sflag:s6], $0x80  }
0x8d: {  	[sflag:s6] =	ssyncset.done $0x0  }
0x8e: {  	[sflag:s6] =	ssyncadd.s32 $0xFFFFFF80  }
0x8f: {  	[hbm4b:s13+s2] =	stream.linear.scatter [tilespmem:s9], [sflag:$0x2], $0x2000, $0x38;
	[tilespmem:$0x23A0] =	vst v63  }
0x90: {  	_ =	swait.ge [sflag:s6], $0x2000  }
0x91: {  	[sflag:s6] =	ssyncset.done $0x0  }
.Ltmp1:
0x92: {  	[sflag:s6] =	ssyncadd.s32 $0xFFFFE000;
	(pc) =	sbr.rel @p1 .LBB2_1-.Ltmp1, $4  }
0x93: {  	[bflag:$0x0] =	sbarrier.arrive $0xFFFF  }
0x94: {  	[hbm:s14], [sflag:s17] =	dma.local @!p0 [spmem:s15], $0x40  }
0x95: {  	_ =	swait.ge @!p0 [sflag:s3], $0x40  }
0x96: {  	[sflag:s3] =	ssyncset.done @!p0 $0x0  }
.LBB2_2:
0x97: {  	[sflag:s3] =	ssyncadd.s32 @!p0 $0xFFFFFFC0  }
0x98: {  	_ =	sfence.sel $0x180000  }
0x99: {  	[bflag:$0x0] =	sbarrier.arrive $0xFFFF  }
0x9a: {  	_ =	strace $0x9000004D  }
0x9b: {  	s0 =	sadd.s32 @!p0 $0x100000, s0;
	[bflag:$0x2] =	sbarrier.arrive $0xFFFF  }
0x9c: {  	[sflag:s0] =	ssyncadd.tile.s32 @!p0 $0x1;
	_ =	shalt  }
.Lfunc_end2:
_tile_overlayer_lowered:
.L_overlay_start_2:
0x9d: {  	(tag) =	ssettag $0x2  }
0x9e: {  	s0 =	rddreg [dreg:$0x0];
	s2 =	stileid.u32  }
0x9f: {  	s1 =	rddreg [dreg:$0x1];
	p0 =	sne.s32 s2, $0x0  }
0xa0: {  	s3 =	rddreg [dreg:$0x2];
	[bflag:$0x3] =	sbarrier.arrive $0xFFFF;
	s2 =	simm.s32 @!p0 $0x1C02  }
0xa1: {  	[timem:s3], [sflag:s2] =	dma.local @!p0 [hbm:s0], s1  }
0xa2: {  	s0 =	simm.s32 @!p0 $0x2  }
0xa3: {  	_ =	swait.ge @!p0 [sflag:s0], s1  }
0xa4: {  	s1 =	ssub.s32 @!p0 $0x0, s1;
	[sflag:s0] =	ssyncset.done @!p0 $0x0  }
0xa5: {  	[sflag:s0] =	ssyncadd.s32 @!p0 s1  }
0xa6: {  	[bflag:$0x3] =	sbarrier.arrive $0xFFFF  }
0xa7: {  	_ =	shalt  }

// kernel: kernel.15.cloned.1.call-start
scs
__scs_entry_jumppad:
0x0: {  	(pc) =	sbr.rel $0x88, $3  }
0x1: {  	(tag) =	ssettag $0x0;
	lr =	simm.s32 $0x1  }
0x2: {  	[smem:$0x3F9D] =	sst lr;
	_ =	strace $0xD0000000  }
0x3: {  	_ = 	snop  }
0x4: {  	_ = 	snop  }
0x5: {  	_ = 	snop  }
0x6: {  	_ = 	snop  }
0x7: {  	_ = 	snop  }
__scs_overlays_trampoline_lowered:
0x8: {  	[smem:$0x3FAC] =	sst s0  }
0x9: {  	[smem:$0x3FAD] =	sst s1  }
0xa: {  	[smem:$0x3FAE] =	sst s2  }
0xb: {  	[smem:$0x3FAF] =	sst s3  }
0xc: {  	[smem:$0x3FB0] =	sst s4  }
0xd: {  	[smem:$0x3FB1] =	sst s5  }
0xe: {  	[smem:$0x3FB2] =	sst s6  }
0xf: {  	[smem:$0x3FB3] =	sst s7  }
0x10: {  	[smem:$0x3FB4] =	sst s8  }
0x11: {  	[smem:$0x3FB5] =	sst s9;
	s0 =	simm.s32 @!p0 $0x0  }
0x12: {  	s1 =	sld [smem:$0x3F9B];
	s0 =	simm.s32 @p0 $0x1  }
0x13: {  	[smem:$0x3FB6] =	sst s0;
	s0 =	simm.s32 @!p1 $0x0  }
0x14: {  	s2 =	sld [smem:$0x3F9A];
	s0 =	simm.s32 @p1 $0x1  }
0x15: {  	[smem:$0x3FB7] =	sst s0;
	s0 =	simm.s32 @!p2 $0x0  }
0x16: {  	s3 =	sld [smem:$0x3FDB];
	s0 =	simm.s32 @p2 $0x1  }
0x17: {  	s4 =	simm.s32 $0x1BF5;
	[smem:$0x3FB9] =	sst s0  }
0x18: {  	s0 =	sld [smem:$0x3F9C];
	_ =	swait.ge [sflag:s4], $0x0  }
0x19: {  	s7 =	sld [smem:$0x3F9D]  }
0x1a: {  	s8 =	sadd.s32 $0xFFFFE003, lr  }
0x1b: {  	s9 =	sadd.s32 $0xFFFFFEF7, lr;
	s5 =	simm.s32 $0xFFFFFFFF;
	p2 =	slt.u32 s8, $0xFFFFF086  }
0x1c: {  	p1 =	slt.u32 s9, $0xF7A;
	s5 =	simm.s32 @!p2 $0x0  }
0x1d: {  	s5 =	simm.s32 @p1 $0x1;
	p0 =	seq.s32 s7, s2  }
0x1e: {  	s7 =	smul.u32 @!p0 $0xF7A, s2;
	p2 =	seq.s32 @!p0 s5, $0x0  }
0x1f: {  	s9 =	smul.u32 $0xF7A, s1;
	s8 =	simm.s32 @!p0 $0x1BF5;
	p2 =	por !p2, p0  }
0x20: {  	[sflag:s8] =	ssyncset.s32 @!p0 $0xFFFFF086;
	s6 =	sadd.s32 @!p0 s3, s7;
	s7 =	simm.s32 @!p0 $0x108  }
0x21: {  	s3 =	sadd.s32 s3, s9;
	s6 =	sadd.s32 @!p0 $0x88, s6;
	s7 =	simm.s32 @p2 $0x1082  }
0x22: {  	[simem:s7], [sflag:s8] =	dma.local @!p0 [hbm:s6], $0xF7A  }
0x23: {  	s9 =	sor.u32 $0xD0000000, s2;
	s6 =	simm.s32 $0x108;
	_ =	swait.ge @!p0 [sflag:s8], $0x0  }
0x24: {  	s3 =	sadd.s32 $0x88, s3;
	s6 =	simm.s32 @!p1 $0x1082;
	[sflag:s4] =	ssyncset.s32 $0xFFFFF086  }
0x25: {  	[simem:s6], [sflag:s4] =	dma.local [hbm:s3], $0xF7A  }
0x26: {  	[smem:$0x3F9D] =	sst s1;
	(tag) =	ssettag s2;
	_ =	strace s9  }
0x27: {  	s1 =	sld [smem:$0x3FAD]  }
0x28: {  	s2 =	sld [smem:$0x3FAE]  }
0x29: {  	s4 =	sld [smem:$0x3FB0]  }
0x2a: {  	p0 =	seq.s32 s5, $0x0;
	s5 =	sld [smem:$0x3FB1]  }
0x2b: {  	s6 =	sld [smem:$0x3FB2]  }
0x2c: {  	s7 =	sld [smem:$0x3FB3]  }
0x2d: {  	s3 =	simm.s32 $0x108;
	s8 =	sld [smem:$0x3FB4]  }
0x2e: {  	s3 =	simm.s32 @!p0 $0x1082;
	s9 =	sld [smem:$0x3FB5]  }
0x2f: {  	lr =	sadd.s32 s0, s3;
	s0 =	sld [smem:$0x3FAC]  }
0x30: {  	s3 =	sld [smem:$0x3FAF]  }
0x31: {  	[smem:$0x3FB8] =	sst s10  }
0x32: {  	s10 =	sld [smem:$0x3FB6];
	_ =	sdelay $0x3  }
0x33: {  	p0 =	seq.s32 s10, $0x1;
	s10 =	sld [smem:$0x3FB8];
	_ =	sdelay $0x3  }
0x34: {  	[smem:$0x3FB8] =	sst s10  }
0x35: {  	s10 =	sld [smem:$0x3FB7];
	_ =	sdelay $0x3  }
0x36: {  	p1 =	seq.s32 s10, $0x1;
	s10 =	sld [smem:$0x3FB8];
	_ =	sdelay $0x3  }
0x37: {  	[smem:$0x3FB8] =	sst s10  }
0x38: {  	s10 =	sld [smem:$0x3FB9]  }
0x39: {  	_ = 	snop;
	(pc) =	sbr.ind lr, $3  }
0x3a: {  	_ = 	snop  }
0x3b: {  	_ = 	snop  }
0x3c: {  	p2 =	seq.s32 s10, $0x1;
	s10 =	sld [smem:$0x3FB8]  }
0x3d: {  	_ =	shalt  }
0x3e: {  	_ =	shalt  }
0x3f: {  	_ =	shalt  }
0x40: {  	_ =	shalt  }
0x41: {  	_ =	shalt  }
0x42: {  	_ =	shalt  }
0x43: {  	_ =	shalt  }
0x44: {  	_ =	shalt  }
0x45: {  	_ =	shalt  }
0x46: {  	_ =	shalt  }
0x47: {  	_ =	shalt  }
0x48: {  	_ =	shalt  }
0x49: {  	_ =	shalt  }
0x4a: {  	_ =	shalt  }
0x4b: {  	_ =	shalt  }
0x4c: {  	_ =	shalt  }
0x4d: {  	_ =	shalt  }
0x4e: {  	_ =	shalt  }
0x4f: {  	_ =	shalt  }
0x50: {  	_ =	shalt  }
0x51: {  	_ =	shalt  }
0x52: {  	_ =	shalt  }
0x53: {  	_ =	shalt  }
0x54: {  	_ =	shalt  }
0x55: {  	_ =	shalt  }
0x56: {  	_ =	shalt  }
0x57: {  	_ =	shalt  }
0x58: {  	_ =	shalt  }
0x59: {  	_ =	shalt  }
0x5a: {  	_ =	shalt  }
0x5b: {  	_ =	shalt  }
0x5c: {  	_ =	shalt  }
0x5d: {  	_ =	shalt  }
0x5e: {  	_ =	shalt  }
0x5f: {  	_ =	shalt  }
0x60: {  	_ =	shalt  }
0x61: {  	_ =	shalt  }
0x62: {  	_ =	shalt  }
0x63: {  	_ =	shalt  }
0x64: {  	_ =	shalt  }
0x65: {  	_ =	shalt  }
0x66: {  	_ =	shalt  }
0x67: {  	_ =	shalt  }
0x68: {  	_ =	shalt  }
0x69: {  	_ =	shalt  }
0x6a: {  	_ =	shalt  }
0x6b: {  	_ =	shalt  }
0x6c: {  	_ =	shalt  }
0x6d: {  	_ =	shalt  }
0x6e: {  	_ =	shalt  }
0x6f: {  	_ =	shalt  }
0x70: {  	_ =	shalt  }
0x71: {  	_ =	shalt  }
0x72: {  	_ =	shalt  }
0x73: {  	_ =	shalt  }
0x74: {  	_ =	shalt  }
0x75: {  	_ =	shalt  }
0x76: {  	_ =	shalt  }
0x77: {  	_ =	shalt  }
0x78: {  	_ =	shalt  }
0x79: {  	_ =	shalt  }
0x7a: {  	_ =	shalt  }
0x7b: {  	_ =	shalt  }
0x7c: {  	_ =	shalt  }
0x7d: {  	_ =	shalt  }
0x7e: {  	_ =	shalt  }
0x7f: {  	_ =	shalt  }
0x80: {  	_ =	shalt  }
0x81: {  	_ =	shalt  }
0x82: {  	_ =	shalt  }
0x83: {  	_ =	shalt  }
0x84: {  	_ =	shalt  }
0x85: {  	_ =	shalt  }
0x86: {  	_ =	shalt  }
0x87: {  	_ =	shalt  }
.Lfunc_end0:
.L_simem_size_0:
called_computation.2_lowered:
.L_overlay_start_0:
0x88: {  	s2 =	sld [smem:$0x3FD9]  }
0x89: {  	s3 =	sld [smem:$0x3FFE];
	_ =	sdelay $0x1  }
0x8a: {  	s1 =	srdreg.scid  }
0x8b: {  	s0 =	sand.u32 $0x1, s1  }
0x8c: {  	s14 =	sshll.u32 s0, $0xA;
	s2 =	sadd.s32 s3, s2  }
0x8d: {  	s2 =	sadd.s32 s2, s14  }
0x8e: {  	[smem:$0x3FC4] =	sst s2  }
0x8f: {  	_ = 	snop  }
0x90: {  	s2 =	sld [smem:$0x3FD0];
	_ =	sdelay $0x2  }
0x91: {  	s15 =	simm.s32 $0xC;
	s4 =	simm.s32 $0x10  }
0x92: {  	[smem:s4], [sflag:s15] =	dma.local [hbm:s2], $0x1  }
0x93: {  	_ =	swait.eq [sflag:s15], $0x1  }
0x94: {  	[sflag:s15] =	ssyncset.done $0x0  }
0x95: {  	[sflag:s15] =	ssyncadd.s32 $0xFFFFFFFF  }
0x96: {  	s16 =	sld [smem:$0x10];
	(tm) =	ssettm $0x1  }
0x97: {  	s17 =	sld [smem:$0x3FFB];
	_ =	sdelay $0x3  }
0x98: {  	_ =	strace s17  }
0x99: {  	s3 =	sld [smem:$0x3FFC];
	_ =	sdelay $0x3  }
0x9a: {  	_ =	strace s3  }
0x9b: {  	s3 =	sld [smem:$0x3FFD];
	_ =	sdelay $0x3  }
0x9c: {  	_ =	strace s3  }
0x9d: {  	_ =	strace $0x8FFFFFFF  }
0x9e: {  	s18 =	sld [smem:$0x3FDB];
	_ =	sdelay $0x1  }
0x9f: {  	s19 =	simm.s32 $_scs_section_size  }
0xa0: {  	s5 =	simm.s32 $_size__tile_overlayer_lowered;
	s6 =	simm.s32 $_tile_overlayer_lowered  }
0xa1: {  	s22 =	simm.s32 $0x1BFF;
	s21 =	sshll.u32 s6, $0x1;
	s3 =	sadd.s32 s19, s18  }
0xa2: {  	s7 =	simm.s32 $0x0;
	s20 =	sshll.u32 s5, $0x1;
	s5 =	sadd.s32 s21, s3  }
0xa3: {  	[timem:s7], [sflag:s22] =	dma.local [hbm:s5], s20  }
0xa4: {  	_ =	swait.ge [sflag:s22], s20  }
0xa5: {  	s4 =	ssub.s32 $0x0, s20;
	[sflag:s22] =	ssyncset.done $0x0  }
0xa6: {  	[sflag:s22] =	ssyncadd.s32 s4;
	_ =	sdelay $0x1  }
0xa7: {  	s23 =	simm.s32 $0x1B8B  }
0xa8: {  	_ =	swait.ge [sflag:s23], $0x1  }
0xa9: {  	[sflag:s23] =	ssyncset.done $0x0  }
0xaa: {  	s25 =	simm.s32 $0x1B8E;
	s24 =	sld [smem:$0x3FFE];
	[sflag:s23] =	ssyncadd.s32 $0xFFFFFFFF  }
0xab: {  	s26 =	simm.s32 $execute0_lowered;
	[smem:$0x3FD2] =	sst s25  }
0xac: {  	s5 =	sshll.u32 s26, $0x1;
	_ =	strace $0x80000046;
	[dreg:$0x1] =	wrdreg $0xFFFFFFFF  }
0xad: {  	s28 =	simm.s32 $_size_execute0_lowered;
	s3 =	sadd.s32 s3, s5;
	[dreg:$0x0] =	wrdreg $0x0  }
0xae: {  	s5 =	sshll.u32 s28, $0x1;
	[dreg:$0x2] =	wrdreg s3  }
0xaf: {  	[dreg:$0x3] =	wrdreg s5  }
0xb0: {  	[dreg:$0x4] =	wrdreg $0xC0  }
0xb1: {  	_ =	task [dreg:s7], $0x5FFFF  }
0xb2: {  	[dreg:$0x1] =	wrdreg $0xFFFFFFFF  }
0xb3: {  	[dreg:$0x0] =	wrdreg $0x60  }
0xb4: {  	[dreg:$0x2] =	wrdreg s16  }
0xb5: {  	[dreg:$0x3] =	wrdreg s24  }
0xb6: {  	[dreg:$0x4] =	wrdreg $0x41800  }
0xb7: {  	[dreg:$0x5] =	wrdreg $0xB  }
0xb8: {  	_ =	task.clear_ibuf [dreg:s7], $0x6FFFF;
	_ =	strace $0x90000046  }
0xb9: {  	s29 =	simm.s32 $0xB;
	_ =	strace $0x80000048  }
0xba: {  	_ =	swait.ge [sflag:s29], $0x1  }
0xbb: {  	[sflag:s29] =	ssyncadd.s32 $0xFFFFFFFF  }
0xbc: {  	_ =	strace $0x90000048  }
0xbd: {  	_ =	sfence  }
0xbe: {  	s30 =	sld [smem:$0x0];
	_ =	sdelay $0x2  }
0xbf: {  	s31 =	sshll.u32 s1, $0xD;
	s1 =	sshrl.u32 s1, $0x2  }
0xc0: {  	s3 =	sand.u32 $0x4000, s31;
	s1 =	sadd.s32 s1, s30  }
0xc1: {  	s0 =	sor.u32 s3, s0;
	s1 =	sshll.u32 s1, $0x11  }
0xc2: {  	s0 =	sor.u32 s1, s0  }
0xc3: {  	s0 =	sadd.s32 $0x8F2B, s0  }
0xc4: {  	[sflag:s0] =	ssyncadd.remote.s32 $0x1  }
0xc5: {  	_ =	sfence.sel $0xFFFF  }
0xc6: {  	[dreg:$0x0] =	wrdreg $0xFFFFFFFF;
	(pc) =	sbr.abs _section_cstart, $3  }
0xc7: {  	[dreg:$0x1] =	wrdreg $0xFFFFFFFF  }
0xc8: {  	_ =	task.clear_ibuf [dreg:s7], $0x2FFFF;
	_ =	strace $0x9FFFFFFF  }
0xc9: {  	(tm) =	ssettm $0x7FFFFFFF  }
tec
execute0_lowered:
.L_overlay_start_1:
0x0: {  	(tag) =	ssettag $0x1  }
0x1: {  	s1 =	rddreg [dreg:$0x0]  }
0x2: {  	s4 =	rddreg [dreg:$0x1]  }
0x3: {  	s2 =	rddreg [dreg:$0x2];
	s3 =	srdreg.scid  }
0x4: {  	s0 =	rddreg [dreg:$0x3];
	s8 =	stileid.u32;
	s12 =	simm.s32 $0x4100  }
0x5: {  	s13 =	simm.s32 $0x1100;
	s15 =	simm.s32 $0x0;
	s5 =	sand.u32 $0x1, s3  }
0x6: {  	s3 =	simm.s32 $0x0;
	p0 =	sne.s32 s8, $0x0;
	s6 =	sshll.u32 s5, $0x4  }
0x7: {  	[smem:$0x7FF] =	sst s3;
	s9 =	ssub.s32 $0x2, s5;
	s5 =	sshll.u32 s5, $0xA  }
0x8: {  	s14 =	sshrl.u32 @!p0 s2, $0x3;
	s6 =	sor.u32 s8, s6;
	_ =	strace $0x80000047  }
0x9: {  	s10 =	sshrl.u32 s9, $0x1;
	s11 =	sadd.s32 s5, s4;
	s8 =	simm.s32 $0x2  }
0xa: {  	s7 =	sshll.u32 s6, $0x5;
	s6 =	sshll.u32 s6, $0xA;
	s9 =	ssub.s32 s9, s10  }
0xb: {  	s10 =	simm.s32 $0x100;
	s7 =	sadd.s32 s7, s4;
	s6 =	sadd.s32 s6, s4  }
0xc: {  	s4 =	sadd.s32 $0x1600, s7;
	s5 =	sadd.s32 $0x2200, s6;
	s6 =	sadd.s32 $0x1A00, s11  }
0xd: {  	v0 =	vimm.f32 $0.0e+00;
	v1 =	vimm.f32 $1.000000000e+00;
	s7 =	smax.u32 s9, $0x1;
	s9 =	simm.s32 $0x80;
	s11 =	simm.s32 $0x1  }
.LBB2_1:
0xe: {  	s16 =	simm.s32 $0x40;
	s17 =	simm.s32 $0x0  }
.LBB2_2:
0xf: {  	p1 =	sne.s32 s16, $0x7FC0;
	[tilespmem:s17+$0x2100] =	vst v0;
	s17 =	smov.u32 s16;
	s16 =	sadd.s32 $0x40, s16  }
.Ltmp0:
0x10: {  	(pc) =	sbr.rel @p1 .LBB2_2-.Ltmp0, $2  }
0x11: {  	_ =	sdelay $0x2  }
0x12: {  	s17 =	sshra.s32 s17, $0x2  }
0x13: {  	[tilespmem:s17+$0x2100] =	vst v0  }
0x14: {  	[tilespmem:$0x4100] =	vst v1  }
0x15: {  	[tilespmem:$0x4110] =	vst v1  }
0x16: {  	[tilespmem:$0x4120] =	vst v1  }
0x17: {  	[tilespmem:$0x4130] =	vst v1  }
0x18: {  	[tilespmem:$0x4140] =	vst v1  }
0x19: {  	[tilespmem:$0x4150] =	vst v1  }
0x1a: {  	[tilespmem:$0x4160] =	vst v1  }
0x1b: {  	s16 =	simm.s32 @!p0 $0x2100;
	[tilespmem:$0x4170] =	vst v1  }
0x1c: {  	[spmem:s2] =	stream.linear.scatter @!p0 [tilespmem:s16], [sflag:$0x2], $0x2000, $0x38;
	[tilespmem:$0x4380] =	vst v63  }
0x1d: {  	s16 =	simm.s32 @!p0 $0x2  }
0x1e: {  	_ =	swait.ge @!p0 [sflag:s16], $0x2000  }
0x1f: {  	[sflag:s16] =	ssyncset.done @!p0 $0x0  }
0x20: {  	[sflag:s16] =	ssyncadd.s32 @!p0 $0xFFFFE000  }
0x21: {  	[bflag:$0x0] =	sbarrier.arrive $0xFFFF  }
0x22: {  	[tilespmem:s3], [sflag:$0x2] =	stream.linear.gather [hbm4b:s4+s3], $0x100, $0x38;
	[tilespmem:$0x4380] =	vst v63  }
0x23: {  	_ =	swait.ge [sflag:s8], $0x100  }
0x24: {  	[sflag:s8] =	ssyncset.done $0x0  }
0x25: {  	[sflag:s8] =	ssyncadd.s32 $0xFFFFFF00  }
0x26: {  	[tilespmem:s10], [sflag:$0x1] =	stream.indirect.gather [hbm4b:s1+s9], $0x20, s3, s9, $0xb8;
	[tilespmem:$0x4380] =	vst v63  }
0x27: {  	_ =	swait.ge [sflag:s11], $0x1000  }
0x28: {  	[sflag:s11] =	ssyncset.done $0x0  }
0x29: {  	[sflag:s11] =	ssyncadd.s32 $0xFFFFF000  }
0x2a: {  	[spmem:s2] =	stream.indirect.scatter.add.f32 [tilespmem:s12], [sflag:$0x2], $0x1, s3, s9, $0xb8;
	[tilespmem:$0x4380] =	vst v63  }
0x2b: {  	_ =	swait.ge [sflag:s8], $0x80  }
0x2c: {  	[sflag:s8] =	ssyncset.done $0x0  }
0x2d: {  	[sflag:s8] =	ssyncadd.s32 $0xFFFFFF80  }
0x2e: {  	[tilespmem:s13], [sflag:$0x1] =	stream.indirect.gather [hbm4b:s1+s9], $0x20, s9, s9, $0xb8;
	[tilespmem:$0x4380] =	vst v63  }
0x2f: {  	_ =	swait.ge [sflag:s11], $0x1000  }
0x30: {  	[sflag:s11] =	ssyncset.done $0x0  }
0x31: {  	[sflag:s11] =	ssyncadd.s32 $0xFFFFF000  }
0x32: {  	[spmem:s2] =	stream.indirect.scatter.add.f32 [tilespmem:s12], [sflag:$0x2], $0x1, s9, s9, $0xb8;
	[tilespmem:$0x4380] =	vst v63  }
0x33: {  	_ =	swait.ge [sflag:s8], $0x80  }
0x34: {  	[sflag:s8] =	ssyncset.done $0x0  }
0x35: {  	[sflag:s8] =	ssyncadd.s32 $0xFFFFFF80  }
0x36: {  	[hbm4b:s5+s3] =	stream.linear.scatter [tilespmem:s10], [sflag:$0x2], $0x2000, $0x38;
	[tilespmem:$0x4380] =	vst v63  }
0x37: {  	_ =	swait.ge [sflag:s8], $0x2000  }
0x38: {  	s15 =	sadd.s32 $0x1, s15;
	[sflag:s8] =	ssyncset.done $0x0  }
0x39: {  	p1 =	sne.s32 s15, s7;
	[sflag:s8] =	ssyncadd.s32 $0xFFFFE000  }
.Ltmp1:
0x3a: {  	s17 =	simm.s32 @!p0 $0x1C02;
	[bflag:$0x0] =	sbarrier.arrive $0xFFFF;
	(pc) =	sbr.rel @p1 .LBB2_1-.Ltmp1, $4  }
0x3b: {  	[hbm:s6], [sflag:s17] =	dma.local @!p0 [spmem:s14], $0x400  }
0x3c: {  	_ =	swait.ge @!p0 [sflag:s16], $0x400  }
0x3d: {  	[sflag:s16] =	ssyncset.done @!p0 $0x0  }
0x3e: {  	[sflag:s16] =	ssyncadd.s32 @!p0 $0xFFFFFC00  }
0x3f: {  	_ =	sfence.sel $0x180000  }
0x40: {  	[bflag:$0x0] =	sbarrier.arrive $0xFFFF  }
0x41: {  	_ =	strace $0x90000047  }
0x42: {  	s0 =	sadd.s32 @!p0 $0x100000, s0;
	[bflag:$0x2] =	sbarrier.arrive $0xFFFF  }
0x43: {  	[sflag:s0] =	ssyncadd.tile.s32 @!p0 $0x1;
	_ =	shalt  }
.Lfunc_end2:
_tile_overlayer_lowered:
.L_overlay_start_2:
0x44: {  	(tag) =	ssettag $0x2  }
0x45: {  	s0 =	rddreg [dreg:$0x0];
	s2 =	stileid.u32  }
0x46: {  	s1 =	rddreg [dreg:$0x1];
	p0 =	sne.s32 s2, $0x0  }
0x47: {  	s3 =	rddreg [dreg:$0x2];
	[bflag:$0x3] =	sbarrier.arrive $0xFFFF;
	s2 =	simm.s32 @!p0 $0x1C02  }
0x48: {  	[timem:s3], [sflag:s2] =	dma.local @!p0 [hbm:s0], s1  }
0x49: {  	s0 =	simm.s32 @!p0 $0x2  }
0x4a: {  	_ =	swait.ge @!p0 [sflag:s0], s1  }
0x4b: {  	s1 =	ssub.s32 @!p0 $0x0, s1;
	[sflag:s0] =	ssyncset.done @!p0 $0x0  }
0x4c: {  	[sflag:s0] =	ssyncadd.s32 @!p0 s1  }
0x4d: {  	[bflag:$0x3] =	sbarrier.arrive $0xFFFF  }
0x4e: {  	_ =	shalt  }

// kernel: kernel.9.cloned.1.call-start
scs
__scs_entry_jumppad:
0x0: {  	(pc) =	sbr.rel $0x88, $3  }
0x1: {  	(tag) =	ssettag $0x0;
	lr =	simm.s32 $0x1  }
0x2: {  	[smem:$0x3F9D] =	sst lr;
	_ =	strace $0xD0000000  }
0x3: {  	_ = 	snop  }
0x4: {  	_ = 	snop  }
0x5: {  	_ = 	snop  }
0x6: {  	_ = 	snop  }
0x7: {  	_ = 	snop  }
__scs_overlays_trampoline_lowered:
0x8: {  	[smem:$0x3FAC] =	sst s0  }
0x9: {  	[smem:$0x3FAD] =	sst s1  }
0xa: {  	[smem:$0x3FAE] =	sst s2  }
0xb: {  	[smem:$0x3FAF] =	sst s3  }
0xc: {  	[smem:$0x3FB0] =	sst s4  }
0xd: {  	[smem:$0x3FB1] =	sst s5  }
0xe: {  	[smem:$0x3FB2] =	sst s6  }
0xf: {  	[smem:$0x3FB3] =	sst s7  }
0x10: {  	[smem:$0x3FB4] =	sst s8  }
0x11: {  	[smem:$0x3FB5] =	sst s9;
	s0 =	simm.s32 @!p0 $0x0  }
0x12: {  	s1 =	sld [smem:$0x3F9B];
	s0 =	simm.s32 @p0 $0x1  }
0x13: {  	[smem:$0x3FB6] =	sst s0;
	s0 =	simm.s32 @!p1 $0x0  }
0x14: {  	s2 =	sld [smem:$0x3F9A];
	s0 =	simm.s32 @p1 $0x1  }
0x15: {  	[smem:$0x3FB7] =	sst s0;
	s0 =	simm.s32 @!p2 $0x0  }
0x16: {  	s3 =	sld [smem:$0x3FDB];
	s0 =	simm.s32 @p2 $0x1  }
0x17: {  	s4 =	simm.s32 $0x1BF5;
	[smem:$0x3FB9] =	sst s0  }
0x18: {  	s0 =	sld [smem:$0x3F9C];
	_ =	swait.ge [sflag:s4], $0x0  }
0x19: {  	s7 =	sld [smem:$0x3F9D]  }
0x1a: {  	s8 =	sadd.s32 $0xFFFFE003, lr  }
0x1b: {  	s9 =	sadd.s32 $0xFFFFFEF7, lr;
	s5 =	simm.s32 $0xFFFFFFFF;
	p2 =	slt.u32 s8, $0xFFFFF086  }
0x1c: {  	p1 =	slt.u32 s9, $0xF7A;
	s5 =	simm.s32 @!p2 $0x0  }
0x1d: {  	s5 =	simm.s32 @p1 $0x1;
	p0 =	seq.s32 s7, s2  }
0x1e: {  	s7 =	smul.u32 @!p0 $0xF7A, s2;
	p2 =	seq.s32 @!p0 s5, $0x0  }
0x1f: {  	s9 =	smul.u32 $0xF7A, s1;
	s8 =	simm.s32 @!p0 $0x1BF5;
	p2 =	por !p2, p0  }
0x20: {  	[sflag:s8] =	ssyncset.s32 @!p0 $0xFFFFF086;
	s6 =	sadd.s32 @!p0 s3, s7;
	s7 =	simm.s32 @!p0 $0x108  }
0x21: {  	s3 =	sadd.s32 s3, s9;
	s6 =	sadd.s32 @!p0 $0x88, s6;
	s7 =	simm.s32 @p2 $0x1082  }
0x22: {  	[simem:s7], [sflag:s8] =	dma.local @!p0 [hbm:s6], $0xF7A  }
0x23: {  	s9 =	sor.u32 $0xD0000000, s2;
	s6 =	simm.s32 $0x108;
	_ =	swait.ge @!p0 [sflag:s8], $0x0  }
0x24: {  	s3 =	sadd.s32 $0x88, s3;
	s6 =	simm.s32 @!p1 $0x1082;
	[sflag:s4] =	ssyncset.s32 $0xFFFFF086  }
0x25: {  	[simem:s6], [sflag:s4] =	dma.local [hbm:s3], $0xF7A  }
0x26: {  	[smem:$0x3F9D] =	sst s1;
	(tag) =	ssettag s2;
	_ =	strace s9  }
0x27: {  	s1 =	sld [smem:$0x3FAD]  }
0x28: {  	s2 =	sld [smem:$0x3FAE]  }
0x29: {  	s4 =	sld [smem:$0x3FB0]  }
0x2a: {  	p0 =	seq.s32 s5, $0x0;
	s5 =	sld [smem:$0x3FB1]  }
0x2b: {  	s6 =	sld [smem:$0x3FB2]  }
0x2c: {  	s7 =	sld [smem:$0x3FB3]  }
0x2d: {  	s3 =	simm.s32 $0x108;
	s8 =	sld [smem:$0x3FB4]  }
0x2e: {  	s3 =	simm.s32 @!p0 $0x1082;
	s9 =	sld [smem:$0x3FB5]  }
0x2f: {  	lr =	sadd.s32 s0, s3;
	s0 =	sld [smem:$0x3FAC]  }
0x30: {  	s3 =	sld [smem:$0x3FAF]  }
0x31: {  	[smem:$0x3FB8] =	sst s10  }
0x32: {  	s10 =	sld [smem:$0x3FB6];
	_ =	sdelay $0x3  }
0x33: {  	p0 =	seq.s32 s10, $0x1;
	s10 =	sld [smem:$0x3FB8];
	_ =	sdelay $0x3  }
0x34: {  	[smem:$0x3FB8] =	sst s10  }
0x35: {  	s10 =	sld [smem:$0x3FB7];
	_ =	sdelay $0x3  }
0x36: {  	p1 =	seq.s32 s10, $0x1;
	s10 =	sld [smem:$0x3FB8];
	_ =	sdelay $0x3  }
0x37: {  	[smem:$0x3FB8] =	sst s10  }
0x38: {  	s10 =	sld [smem:$0x3FB9]  }
0x39: {  	_ = 	snop;
	(pc) =	sbr.ind lr, $3  }
0x3a: {  	_ = 	snop  }
0x3b: {  	_ = 	snop  }
0x3c: {  	p2 =	seq.s32 s10, $0x1;
	s10 =	sld [smem:$0x3FB8]  }
0x3d: {  	_ =	shalt  }
0x3e: {  	_ =	shalt  }
0x3f: {  	_ =	shalt  }
0x40: {  	_ =	shalt  }
0x41: {  	_ =	shalt  }
0x42: {  	_ =	shalt  }
0x43: {  	_ =	shalt  }
0x44: {  	_ =	shalt  }
0x45: {  	_ =	shalt  }
0x46: {  	_ =	shalt  }
0x47: {  	_ =	shalt  }
0x48: {  	_ =	shalt  }
0x49: {  	_ =	shalt  }
0x4a: {  	_ =	shalt  }
0x4b: {  	_ =	shalt  }
0x4c: {  	_ =	shalt  }
0x4d: {  	_ =	shalt  }
0x4e: {  	_ =	shalt  }
0x4f: {  	_ =	shalt  }
0x50: {  	_ =	shalt  }
0x51: {  	_ =	shalt  }
0x52: {  	_ =	shalt  }
0x53: {  	_ =	shalt  }
0x54: {  	_ =	shalt  }
0x55: {  	_ =	shalt  }
0x56: {  	_ =	shalt  }
0x57: {  	_ =	shalt  }
0x58: {  	_ =	shalt  }
0x59: {  	_ =	shalt  }
0x5a: {  	_ =	shalt  }
0x5b: {  	_ =	shalt  }
0x5c: {  	_ =	shalt  }
0x5d: {  	_ =	shalt  }
0x5e: {  	_ =	shalt  }
0x5f: {  	_ =	shalt  }
0x60: {  	_ =	shalt  }
0x61: {  	_ =	shalt  }
0x62: {  	_ =	shalt  }
0x63: {  	_ =	shalt  }
0x64: {  	_ =	shalt  }
0x65: {  	_ =	shalt  }
0x66: {  	_ =	shalt  }
0x67: {  	_ =	shalt  }
0x68: {  	_ =	shalt  }
0x69: {  	_ =	shalt  }
0x6a: {  	_ =	shalt  }
0x6b: {  	_ =	shalt  }
0x6c: {  	_ =	shalt  }
0x6d: {  	_ =	shalt  }
0x6e: {  	_ =	shalt  }
0x6f: {  	_ =	shalt  }
0x70: {  	_ =	shalt  }
0x71: {  	_ =	shalt  }
0x72: {  	_ =	shalt  }
0x73: {  	_ =	shalt  }
0x74: {  	_ =	shalt  }
0x75: {  	_ =	shalt  }
0x76: {  	_ =	shalt  }
0x77: {  	_ =	shalt  }
0x78: {  	_ =	shalt  }
0x79: {  	_ =	shalt  }
0x7a: {  	_ =	shalt  }
0x7b: {  	_ =	shalt  }
0x7c: {  	_ =	shalt  }
0x7d: {  	_ =	shalt  }
0x7e: {  	_ =	shalt  }
0x7f: {  	_ =	shalt  }
0x80: {  	_ =	shalt  }
0x81: {  	_ =	shalt  }
0x82: {  	_ =	shalt  }
0x83: {  	_ =	shalt  }
0x84: {  	_ =	shalt  }
0x85: {  	_ =	shalt  }
0x86: {  	_ =	shalt  }
0x87: {  	_ =	shalt  }
.Lfunc_end0:
.L_simem_size_0:
called_computation_lowered:
.L_overlay_start_0:
0x88: {  	s2 =	sld [smem:$0x3FD9]  }
0x89: {  	s3 =	sld [smem:$0x3FFE];
	_ =	sdelay $0x1  }
0x8a: {  	s1 =	srdreg.scid  }
0x8b: {  	s0 =	sand.u32 $0x1, s1  }
0x8c: {  	s17 =	sshll.u32 s0, $0xA;
	s2 =	sadd.s32 s3, s2  }
0x8d: {  	s2 =	sadd.s32 s2, s17  }
0x8e: {  	[smem:$0x3FC4] =	sst s2  }
0x8f: {  	_ = 	snop  }
0x90: {  	(tm) =	ssettm $0x1  }
0x91: {  	s18 =	sld [smem:$0x3FFB];
	_ =	sdelay $0x3  }
0x92: {  	_ =	strace s18  }
0x93: {  	s2 =	sld [smem:$0x3FFC];
	_ =	sdelay $0x3  }
0x94: {  	_ =	strace s2  }
0x95: {  	s2 =	sld [smem:$0x3FFD];
	_ =	sdelay $0x3  }
0x96: {  	_ =	strace s2  }
0x97: {  	_ =	strace $0x8FFFFFFF  }
0x98: {  	s19 =	sld [smem:$0x3FDB];
	_ =	sdelay $0x1  }
0x99: {  	s20 =	simm.s32 $_scs_section_size  }
0x9a: {  	s4 =	simm.s32 $_size__tile_overlayer_lowered;
	s5 =	simm.s32 $_tile_overlayer_lowered  }
0x9b: {  	s6 =	simm.s32 $0x1BFF;
	s21 =	sshll.u32 s5, $0x1;
	s3 =	sadd.s32 s20, s19  }
0x9c: {  	s22 =	simm.s32 $0x0;
	s4 =	sshll.u32 s4, $0x1;
	s5 =	sadd.s32 s21, s3  }
0x9d: {  	[timem:s22], [sflag:s6] =	dma.local [hbm:s5], s4  }
0x9e: {  	_ =	swait.ge [sflag:s6], s4  }
0x9f: {  	s4 =	ssub.s32 $0x0, s4;
	[sflag:s6] =	ssyncset.done $0x0  }
0xa0: {  	[sflag:s6] =	ssyncadd.s32 s4;
	_ =	sdelay $0x1  }
0xa1: {  	s23 =	simm.s32 $0x1B8B  }
0xa2: {  	_ =	swait.ge [sflag:s23], $0x1  }
0xa3: {  	[sflag:s23] =	ssyncset.done $0x0  }
0xa4: {  	[sflag:s23] =	ssyncadd.s32 $0xFFFFFFFF  }
0xa5: {  	s4 =	sld [smem:$0x0]  }
0xa6: {  	s5 =	sand.u32 $0xFFFFFFFE, s1  }
0xa7: {  	p0 =	sne.s32 s1, s5  }
0xa8: {  	s5 =	sshll.u32 @p0 s5, $0xE  }
0xa9: {  	s5 =	sadd.s32 @p0 $0x11B8D, s5;
	s6 =	sshll.u32 @p0 s4, $0x11  }
0xaa: {  	s5 =	sor.u32 @p0 s6, s5  }
0xab: {  	[sflag:s5] =	ssyncadd.remote.s32 @p0 $0x1;
	_ =	sdelay $0x1  }
0xac: {  	s5 =	simm.s32 @p0 $0x1B8D  }
0xad: {  	_ =	swait.eq @p0 [sflag:s5], $0x1  }
0xae: {  	[sflag:s5] =	ssyncadd.s32 @p0 $0xFFFFFFFF  }
0xaf: {  	s6 =	sshll.u32 @!p0 s1, $0xE  }
0xb0: {  	s6 =	sor.u32 @!p0 $0x4000, s6;
	s5 =	simm.s32 @!p0 $0x1B8D  }
0xb1: {  	s4 =	sshll.u32 @!p0 s4, $0x11;
	s6 =	sadd.s32 @!p0 $0x11B8D, s6;
	_ =	swait.eq @!p0 [sflag:s5], $0x1  }
0xb2: {  	s4 =	sor.u32 @!p0 s4, s6;
	[sflag:s5] =	ssyncadd.s32 @!p0 $0xFFFFFFFF  }
0xb3: {  	s25 =	simm.s32 $0x1B8E;
	s24 =	sld [smem:$0x3FFE];
	[sflag:s4] =	ssyncadd.remote.s32 @!p0 $0x1  }
0xb4: {  	s26 =	simm.s32 $execute0_lowered;
	[smem:$0x3FD2] =	sst s25  }
0xb5: {  	s5 =	sshll.u32 s26, $0x1;
	_ =	strace $0x80000049;
	[dreg:$0x1] =	wrdreg $0xFFFFFFFF  }
0xb6: {  	s28 =	simm.s32 $_size_execute0_lowered;
	s3 =	sadd.s32 s3, s5;
	[dreg:$0x0] =	wrdreg $0x0  }
0xb7: {  	s5 =	sshll.u32 s28, $0x1;
	[dreg:$0x2] =	wrdreg s3  }
0xb8: {  	[dreg:$0x3] =	wrdreg s5  }
0xb9: {  	[dreg:$0x4] =	wrdreg $0xC0  }
0xba: {  	_ =	task [dreg:s22], $0x5FFFF  }
0xbb: {  	[dreg:$0x1] =	wrdreg $0xFFFFFFFF  }
0xbc: {  	[dreg:$0x0] =	wrdreg $0x60  }
0xbd: {  	[dreg:$0x2] =	wrdreg s24  }
0xbe: {  	[dreg:$0x3] =	wrdreg $0x25800  }
0xbf: {  	[dreg:$0x4] =	wrdreg $0x9  }
0xc0: {  	_ =	task.clear_ibuf [dreg:s22], $0x5FFFF;
	_ =	strace $0x90000049  }
0xc1: {  	s29 =	simm.s32 $0x9;
	_ =	strace $0x8000004B  }
0xc2: {  	_ =	swait.ge [sflag:s29], $0x1  }
0xc3: {  	[sflag:s29] =	ssyncadd.s32 $0xFFFFFFFF  }
0xc4: {  	_ =	strace $0x9000004B  }
0xc5: {  	_ =	sfence  }
0xc6: {  	s30 =	sld [smem:$0x0];
	_ =	sdelay $0x2  }
0xc7: {  	s31 =	sshll.u32 s1, $0xD;
	s1 =	sshrl.u32 s1, $0x2  }
0xc8: {  	s4 =	sand.u32 $0x4000, s31;
	s1 =	sadd.s32 s1, s30  }
0xc9: {  	s0 =	sor.u32 s4, s0;
	s1 =	sshll.u32 s1, $0x11  }
0xca: {  	s0 =	sor.u32 s1, s0  }
0xcb: {  	s0 =	sadd.s32 $0x8F2B, s0  }
0xcc: {  	[sflag:s0] =	ssyncadd.remote.s32 $0x1  }
0xcd: {  	_ =	sfence.sel $0xFFFF  }
0xce: {  	[dreg:$0x0] =	wrdreg $0xFFFFFFFF;
	(pc) =	sbr.abs _section_cstart, $3  }
0xcf: {  	[dreg:$0x1] =	wrdreg $0xFFFFFFFF  }
0xd0: {  	_ =	task.clear_ibuf [dreg:s22], $0x2FFFF;
	_ =	strace $0x9FFFFFFF  }
0xd1: {  	(tm) =	ssettm $0x7FFFFFFF  }
tec
execute0_lowered:
.L_overlay_start_1:
0x0: {  	(tag) =	ssettag $0x1  }
0x1: {  	s4 =	rddreg [dreg:$0x0]  }
0x2: {  	s1 =	rddreg [dreg:$0x1]  }
0x3: {  	s2 =	srdreg.scid;
	s0 =	rddreg [dreg:$0x2]  }
0x4: {  	s8 =	stileid.u32;
	s12 =	simm.s32 $0x2500;
	s13 =	simm.s32 $0x1100  }
0x5: {  	s15 =	simm.s32 $0x0;
	s5 =	sand.u32 $0x1, s2;
	s2 =	simm.s32 $0x0  }
0x6: {  	p0 =	sne.s32 s8, $0x0;
	s3 =	sshll.u32 s5, $0x4;
	[smem:$0x7FF] =	sst s2  }
0x7: {  	s9 =	ssub.s32 $0x2, s5;
	s5 =	sshll.u32 s5, $0x7;
	s14 =	sshrl.u32 @!p0 s1, $0x3  }
0x8: {  	s6 =	sor.u32 s8, s3;
	_ =	strace $0x8000004A;
	s3 =	sadd.s32 $0xA200, s4  }
0x9: {  	s10 =	sshrl.u32 s9, $0x1;
	s11 =	sadd.s32 s5, s4;
	s8 =	simm.s32 $0x2  }
0xa: {  	s7 =	sshll.u32 s6, $0x5;
	s6 =	sshll.u32 s6, $0xA;
	s9 =	ssub.s32 s9, s10  }
0xb: {  	s10 =	simm.s32 $0x100;
	s7 =	sadd.s32 s7, s4;
	s6 =	sadd.s32 s6, s4  }
0xc: {  	s4 =	sadd.s32 $0xB200, s7;
	s5 =	sadd.s32 $0xB800, s6;
	s6 =	sadd.s32 $0xB600, s11  }
0xd: {  	v0 =	vimm.f32 $0.0e+00;
	v1 =	vimm.f32 $1.000000000e+00;
	s7 =	smax.u32 s9, $0x1;
	s9 =	simm.s32 $0x80;
	s11 =	simm.s32 $0x1  }
.LBB2_1:
0xe: {  	s16 =	simm.s32 $0x40;
	s17 =	simm.s32 $0x0  }
.LBB2_2:
0xf: {  	p1 =	sne.s32 s16, $0xFC0;
	[tilespmem:s17+$0x2100] =	vst v0;
	s17 =	smov.u32 s16;
	s16 =	sadd.s32 $0x40, s16  }
.Ltmp0:
0x10: {  	(pc) =	sbr.rel @p1 .LBB2_2-.Ltmp0, $2  }
0x11: {  	_ =	sdelay $0x2  }
0x12: {  	s17 =	sshra.s32 s17, $0x2  }
0x13: {  	[tilespmem:s17+$0x2100] =	vst v0  }
0x14: {  	[tilespmem:$0x2500] =	vst v1  }
0x15: {  	[tilespmem:$0x2510] =	vst v1  }
0x16: {  	[tilespmem:$0x2520] =	vst v1  }
0x17: {  	[tilespmem:$0x2530] =	vst v1  }
0x18: {  	[tilespmem:$0x2540] =	vst v1  }
0x19: {  	[tilespmem:$0x2550] =	vst v1  }
0x1a: {  	[tilespmem:$0x2560] =	vst v1  }
0x1b: {  	s16 =	simm.s32 @!p0 $0x2100;
	[tilespmem:$0x2570] =	vst v1  }
0x1c: {  	[spmem:s1] =	stream.linear.scatter @!p0 [tilespmem:s16], [sflag:$0x2], $0x400, $0x38;
	[tilespmem:$0x25C0] =	vst v63  }
0x1d: {  	s16 =	simm.s32 @!p0 $0x2  }
0x1e: {  	_ =	swait.ge @!p0 [sflag:s16], $0x400  }
0x1f: {  	[sflag:s16] =	ssyncset.done @!p0 $0x0  }
0x20: {  	[sflag:s16] =	ssyncadd.s32 @!p0 $0xFFFFFC00  }
0x21: {  	[bflag:$0x0] =	sbarrier.arrive $0xFFFF  }
0x22: {  	[tilespmem:s2], [sflag:$0x2] =	stream.linear.gather [hbm4b:s4+s2], $0x100, $0x38;
	[tilespmem:$0x25C0] =	vst v63  }
0x23: {  	_ =	swait.ge [sflag:s8], $0x100  }
0x24: {  	[sflag:s8] =	ssyncset.done $0x0  }
0x25: {  	[sflag:s8] =	ssyncadd.s32 $0xFFFFFF00  }
0x26: {  	[tilespmem:s10], [sflag:$0x1] =	stream.indirect.gather [hbm4b:s3+s9], $0x20, s2, s9, $0xb8;
	[tilespmem:$0x25C0] =	vst v63  }
0x27: {  	_ =	swait.ge [sflag:s11], $0x1000  }
0x28: {  	[sflag:s11] =	ssyncset.done $0x0  }
0x29: {  	[sflag:s11] =	ssyncadd.s32 $0xFFFFF000  }
0x2a: {  	[spmem:s1] =	stream.indirect.scatter.add.f32 [tilespmem:s12], [sflag:$0x2], $0x1, s2, s9, $0xb8;
	[tilespmem:$0x25C0] =	vst v63  }
0x2b: {  	_ =	swait.ge [sflag:s8], $0x80  }
0x2c: {  	[sflag:s8] =	ssyncset.done $0x0  }
0x2d: {  	[sflag:s8] =	ssyncadd.s32 $0xFFFFFF80  }
0x2e: {  	[tilespmem:s13], [sflag:$0x1] =	stream.indirect.gather [hbm4b:s3+s9], $0x20, s9, s9, $0xb8;
	[tilespmem:$0x25C0] =	vst v63  }
0x2f: {  	_ =	swait.ge [sflag:s11], $0x1000  }
0x30: {  	[sflag:s11] =	ssyncset.done $0x0  }
0x31: {  	[sflag:s11] =	ssyncadd.s32 $0xFFFFF000  }
0x32: {  	[spmem:s1] =	stream.indirect.scatter.add.f32 [tilespmem:s12], [sflag:$0x2], $0x1, s9, s9, $0xb8;
	[tilespmem:$0x25C0] =	vst v63  }
0x33: {  	_ =	swait.ge [sflag:s8], $0x80  }
0x34: {  	[sflag:s8] =	ssyncset.done $0x0  }
0x35: {  	[sflag:s8] =	ssyncadd.s32 $0xFFFFFF80  }
0x36: {  	[hbm4b:s5+s2] =	stream.linear.scatter [tilespmem:s10], [sflag:$0x2], $0x2000, $0x38;
	[tilespmem:$0x25C0] =	vst v63  }
0x37: {  	_ =	swait.ge [sflag:s8], $0x2000  }
0x38: {  	s15 =	sadd.s32 $0x1, s15;
	[sflag:s8] =	ssyncset.done $0x0  }
0x39: {  	p1 =	sne.s32 s15, s7;
	[sflag:s8] =	ssyncadd.s32 $0xFFFFE000  }
.Ltmp1:
0x3a: {  	s17 =	simm.s32 @!p0 $0x1C02;
	[bflag:$0x0] =	sbarrier.arrive $0xFFFF;
	(pc) =	sbr.rel @p1 .LBB2_1-.Ltmp1, $4  }
0x3b: {  	[hbm:s6], [sflag:s17] =	dma.local @!p0 [spmem:s14], $0x80  }
0x3c: {  	_ =	swait.ge @!p0 [sflag:s16], $0x80  }
0x3d: {  	[sflag:s16] =	ssyncset.done @!p0 $0x0  }
0x3e: {  	[sflag:s16] =	ssyncadd.s32 @!p0 $0xFFFFFF80  }
0x3f: {  	_ =	sfence.sel $0x180000  }
0x40: {  	[bflag:$0x0] =	sbarrier.arrive $0xFFFF  }
0x41: {  	_ =	strace $0x9000004A  }
0x42: {  	s0 =	sadd.s32 @!p0 $0x100000, s0;
	[bflag:$0x2] =	sbarrier.arrive $0xFFFF  }
0x43: {  	[sflag:s0] =	ssyncadd.tile.s32 @!p0 $0x1;
	_ =	shalt  }
.Lfunc_end2:
_tile_overlayer_lowered:
.L_overlay_start_2:
0x44: {  	(tag) =	ssettag $0x2  }
0x45: {  	s0 =	rddreg [dreg:$0x0];
	s2 =	stileid.u32  }
0x46: {  	s1 =	rddreg [dreg:$0x1];
	p0 =	sne.s32 s2, $0x0  }
0x47: {  	s3 =	rddreg [dreg:$0x2];
	[bflag:$0x3] =	sbarrier.arrive $0xFFFF;
	s2 =	simm.s32 @!p0 $0x1C02  }
0x48: {  	[timem:s3], [sflag:s2] =	dma.local @!p0 [hbm:s0], s1  }
0x49: {  	s0 =	simm.s32 @!p0 $0x2  }
0x4a: {  	_ =	swait.ge @!p0 [sflag:s0], s1  }
0x4b: {  	s1 =	ssub.s32 @!p0 $0x0, s1;
	[sflag:s0] =	ssyncset.done @!p0 $0x0  }
0x4c: {  	[sflag:s0] =	ssyncadd.s32 @!p0 s1  }
0x4d: {  	[bflag:$0x3] =	sbarrier.arrive $0xFFFF  }
0x4e: {  	_ =	shalt  }

</sc_bundles>
